<compile_context>
chip_gen: v7x
topology: tpu7x:2x2x1
jax: 0.10.2.dev20260603
libtpu: 0.0.44.dev20260713+nightly
codegen_flags: <defaults>
</compile_context>

<pallas_src>
import functools

import jax
import jax.numpy as jnp
from jax import lax
from jax.experimental import pallas as pl
from jax.experimental.pallas import tpu as pltpu
from jax.experimental.pallas import tpu_sc as plsc

VPAD = 1 << 20
NUM_IDS = 16384
DIM = 32
ROWS = 1024
LANES = 1024

_info = plsc.get_sparse_core_info()
_NC, _NS, _L = _info.num_cores, _info.num_subcores, _info.num_lanes
NW = _NC * _NS
CHUNK = VPAD // NW
IDS_PER_W = NUM_IDS // NW

_mesh = plsc.VectorSubcoreMesh(core_axis_name="c", subcore_axis_name="s")


NUM_ROWS = 1000000


@functools.partial(
    pl.kernel,
    mesh=_mesh,
    compiler_params=pltpu.CompilerParams(needs_layout_passes=False,
                                         use_tc_tiling_on_sc=False),
    out_type=jax.ShapeDtypeStruct((VPAD,), jnp.float32),
    scratch_types=[
        pltpu.VMEM((NUM_IDS,), jnp.int32),
        pltpu.VMEM((CHUNK,), jnp.float32),
    ],
)
def _sc_scatter(ids_hbm, p_hbm, allids_v, chunk_v):
    wid = lax.axis_index("s") * _NC + lax.axis_index("c")
    base = wid * CHUNK
    pltpu.sync_copy(ids_hbm, allids_v)
    zeros = jnp.zeros((_L,), jnp.float32)
    ones = jnp.ones((_L,), jnp.float32)

    def zbody(i, carry):
        chunk_v[pl.ds(i * _L, _L)] = zeros
        return carry

    lax.fori_loop(0, CHUNK // _L, zbody, 0, unroll=8)

    def sbody(i, carry):
        v = allids_v[pl.ds(i * _L, _L)]
        m = (v >= base) & (v < base + CHUNK)
        loc = jnp.where(m, v - base, 0)
        plsc.store_scatter(chunk_v, [loc], ones, mask=m)
        return carry

    lax.fori_loop(0, NUM_IDS // _L, sbody, 0, unroll=8)
    pltpu.sync_copy(chunk_v, p_hbm.at[pl.ds(base, CHUNK)])


def _tc_prefix_body(p_ref, d_ref):
    p = p_ref[...]
    ri = lax.broadcasted_iota(jnp.int32, (128, 128), 0)
    ci = lax.broadcasted_iota(jnp.int32, (128, 128), 1)
    m_incl = (ri <= ci).astype(jnp.bfloat16)
    c = jnp.dot(p.astype(jnp.bfloat16), m_incl,
                preferred_element_type=jnp.float32)
    r = c[:, 127:128]
    big_r = jnp.transpose(r).reshape(64, 128)
    c2 = jnp.dot(big_r.astype(jnp.bfloat16), m_incl,
                 preferred_element_type=jnp.float32)
    t = c2[:, 127:128]
    ri2 = lax.broadcasted_iota(jnp.int32, (64, 64), 0)
    ci2 = lax.broadcasted_iota(jnp.int32, (64, 64), 1)
    ms = (ri2 > ci2).astype(jnp.float32)
    e3 = jnp.dot(ms, t, preferred_element_type=jnp.float32,
                 precision=lax.Precision.HIGHEST)
    e2d = e3 + c2 - big_r
    e_col = jnp.transpose(e2d.reshape(1, 8192))
    d_ref[...] = (c + e_col).astype(jnp.int32) - 1


_tc_prefix = pl.pallas_call(
    _tc_prefix_body,
    out_shape=jax.ShapeDtypeStruct((VPAD // 128, 128), jnp.int32),
)


@functools.partial(
    pl.kernel,
    mesh=_mesh,
    compiler_params=pltpu.CompilerParams(needs_layout_passes=False),
    out_type=jax.ShapeDtypeStruct((NUM_IDS,), jnp.int32),
    scratch_types=[
        pltpu.VMEM((IDS_PER_W,), jnp.int32),
        pltpu.VMEM((IDS_PER_W,), jnp.int32),
        pltpu.SemaphoreType.DMA,
    ],
)
def _sc_rank_gather(ids_hbm, d_hbm, ret_hbm, idx_v, ret_v, sem):
    wid = lax.axis_index("s") * _NC + lax.axis_index("c")
    gbase = wid * IDS_PER_W
    pltpu.sync_copy(ids_hbm.at[pl.ds(gbase, IDS_PER_W)], idx_v)
    pltpu.async_copy(d_hbm.at[idx_v], ret_v, sem).wait()
    pltpu.sync_copy(ret_v, ret_hbm.at[pl.ds(gbase, IDS_PER_W)])


@functools.partial(
    pl.kernel,
    mesh=_mesh,
    compiler_params=pltpu.CompilerParams(needs_layout_passes=False,
                                         use_tc_tiling_on_sc=False),
    out_type=jax.ShapeDtypeStruct((NUM_IDS, DIM), jnp.float32),
    scratch_types=[
        pltpu.VMEM((IDS_PER_W,), jnp.int32),
        pltpu.VMEM((IDS_PER_W, DIM), jnp.float32),
        pltpu.SemaphoreType.DMA,
    ],
)
def _sc_wgather(ids_hbm, w_hbm, rows_hbm, idx_v, rows_v, sem):
    wid = lax.axis_index("s") * _NC + lax.axis_index("c")
    gbase = wid * IDS_PER_W
    pltpu.sync_copy(ids_hbm.at[pl.ds(gbase, IDS_PER_W)], idx_v)
    pltpu.async_copy(w_hbm.at[idx_v], rows_v, sem).wait()
    pltpu.sync_copy(rows_v, rows_hbm.at[pl.ds(gbase, IDS_PER_W)])


_TBLK = 16384


def _tc_relayout_body(x_ref, o_ref):
    x = x_ref[...]
    y = jnp.transpose(x)
    y3 = y.reshape(_TBLK // 4, 4, DIM)
    o_ref[...] = jnp.concatenate(
        [y3[:, a, :] for a in range(4)], axis=1)


_tc_relayout = pl.pallas_call(
    _tc_relayout_body,
    grid=((NUM_ROWS + _TBLK - 1) // _TBLK,),
    in_specs=[pl.BlockSpec((DIM, _TBLK), lambda j: (0, j))],
    out_specs=pl.BlockSpec((_TBLK // 4, DIM * 4), lambda j: (j, 0)),
    out_shape=jax.ShapeDtypeStruct((NUM_ROWS // 4, DIM * 4), jnp.float32),
)


def kernel(ids, cpu_weight):
    w_lin = _tc_relayout(cpu_weight.T).reshape(NUM_ROWS, DIM)
    p = _sc_scatter(ids)
    out = _sc_wgather(ids, w_lin)
    d = _tc_prefix(p.reshape(VPAD // 128, 128))
    ret = _sc_rank_gather(ids, d.reshape(VPAD))
    return ret, out

# --- scband reference (transcript-rebuilt; emitter-appended) ---
"""Pipeline reference for scband-chunk-param-mgr-8048768712972 (READ-ONLY COPY).

The authoritative reference and input builder live on the scoring server;
editing this copy changes nothing except your own understanding.
"""

import jax, jax.numpy as jnp
import numpy as np

NUM_EMBEDDINGS = 1000000
EMBEDDING_DIM = 32
CUDA_ROW_NUM = 500000


def setup_inputs(seed: int = 0) -> dict:
    key = jax.random.key(seed)
    k1, k2 = jax.random.split(key)
    ids = jax.random.randint(k1, (16384,), 0, NUM_EMBEDDINGS, dtype=jnp.int32)
    cpu_weight = jax.random.normal(k2, (NUM_EMBEDDINGS, EMBEDDING_DIM), dtype=jnp.float32)
    return {"ids": ids, "cpu_weight": cpu_weight}


def reference(ids, cpu_weight):
    # Faithful translation of ChunkParamMgr.prepare_ids starting from an empty
    # CUDA cache (cached_idx_map == -1, inverted_cached_idx == -1).
    V, D = cpu_weight.shape
    # idx_map is identity before any reorder() call
    idx_map = jnp.arange(V, dtype=jnp.int32)
    mapped = jnp.take(idx_map, ids)                      # gather: idx_map.index_select(0, ids)
    # cpu_row_idxs = torch.unique(...)
    cpu_row_idxs = jnp.unique(mapped, size=ids.shape[0], fill_value=V)
    n_uniq = cpu_row_idxs.shape[0]
    # cache is empty, so all unique chunks miss -> admit into slots [0, n_uniq)
    slots = jnp.arange(n_uniq, dtype=jnp.int32)
    # inverted_cached_idx: embedding-id -> cache slot (scatter-overwrite)
    inverted_cached_idx = jnp.full((V,), -1, dtype=jnp.int32)
    inverted_cached_idx = inverted_cached_idx.at[cpu_row_idxs].set(slots, mode="drop")
    # cuda_cached_weight.index_copy_(0, slot_ids, cpu_weight.index_select(0, chunk_ids))
    cuda_cached_weight = jnp.zeros((CUDA_ROW_NUM, D), dtype=cpu_weight.dtype)
    cuda_cached_weight = cuda_cached_weight.at[slots].set(jnp.take(cpu_weight, cpu_row_idxs, axis=0, mode="clip"))
    # _id_to_cached_cuda_id(ids)
    ret = jnp.take(inverted_cached_idx, mapped)          # indices on cuda_cached_weight
    # downstream consumption: gather the cached rows for the requested ids
    out = jnp.take(cuda_cached_weight, ret, axis=0)
    return ret, out

if __name__ == "__main__":
    import jax
    _d = setup_inputs()
    print(jax.jit(kernel)(*tuple(_d.values())))

</pallas_src>

<mosaic_0001>
#map = affine_map<(d0, d1) -> (0)>
module attributes {stable_mosaic.version = 14 : i64} {
  func.func @_sc_scatter(%arg0: i32, %arg1: i32, %arg2: memref<16384xi32, #tpu.memory_space<hbm>>, %arg3: memref<1048576xf32, #tpu.memory_space<hbm>>, %arg4: memref<16384xi32, #tpu.memory_space<vmem>>, %arg5: memref<32768xf32, #tpu.memory_space<vmem>>) attributes {dimension_semantics = [#tpu.dimension_semantics<core_parallel>, #tpu.dimension_semantics<subcore_parallel>], iteration_bounds = array<i64: 2, 16>, scalar_prefetch = 0 : i64, scratch_operands = 2 : i64, tpu.core_type = #tpu.core_type<sc_vector_subcore>, window_params = [{transform_indices = #map}, {transform_indices = #map}]} {
    %mul3A = arith.constant 2 : i32
    %mul3A_0 = arith.muli %arg1, %mul3A : i32
    %add3A = arith.addi %mul3A_0, %arg0 : i32
    %mul3A_1 = arith.constant 32768 : i32
    %mul3A_2 = arith.muli %add3A, %mul3A_1 : i32
    "tpu.region"() ({
      %run_scoped3A = tpu.sem_alloc : memref<!tpu.dma_semaphore, #tpu.memory_space<semaphore_mem>>
      tpu.enqueue_dma source(%arg2 : memref<16384xi32, #tpu.memory_space<hbm>>) target(%arg4 : memref<16384xi32, #tpu.memory_space<vmem>>) target_semaphore(%run_scoped3A : memref<!tpu.dma_semaphore, #tpu.memory_space<semaphore_mem>>)
      tpu.wait_dma2 semaphore(%run_scoped3A : memref<!tpu.dma_semaphore, #tpu.memory_space<semaphore_mem>>) src(%arg2 : memref<16384xi32, #tpu.memory_space<hbm>>) dst(%arg4 : memref<16384xi32, #tpu.memory_space<vmem>>)
      tpu.yield
    }) : () -> ()
    %broadcast_in_dim3A = arith.constant 0.000000e+00 : f32
    %broadcast_in_dim3A_3 = vector.broadcast %broadcast_in_dim3A : f32 to vector<16xf32>
    %broadcast_in_dim3A_4 = arith.constant 1.000000e+00 : f32
    %broadcast_in_dim3A_5 = vector.broadcast %broadcast_in_dim3A_4 : f32 to vector<16xf32>
    %scan3A = arith.constant 0 : i32
    %scan3A_6 = arith.constant 0 : i32
    %scan3A_7 = arith.constant 2048 : i32
    %scan3A_8 = arith.addi %scan3A_6, %scan3A_7 : i32
    %scan3A_9 = arith.constant 8 : i32
    scf.for %scan3A_17 = %scan3A_6 to %scan3A_8 step %scan3A_9  : i32 {
      %mul3A_18 = arith.constant 16 : i32
      %mul3A_19 = arith.muli %scan3A_17, %mul3A_18 : i32
      %swap3A = arith.index_cast %mul3A_19 : i32 to index
      %swap3A_20 = tpu.vector_load %arg5[%swap3A] {strides = array<i32>} : memref<32768xf32, #tpu.memory_space<vmem>>, vector<16xf32>,
      tpu.vector_store %arg5[%swap3A], %broadcast_in_dim3A_3 {strides = array<i32>} : memref<32768xf32, #tpu.memory_space<vmem>>, vector<16xf32>,
      %scan3A_21 = arith.constant 1 : i32
      %scan3A_22 = arith.addi %scan3A_17, %scan3A_21 : i32
      %mul3A_23 = arith.constant 16 : i32
      %mul3A_24 = arith.muli %scan3A_22, %mul3A_23 : i32
      %swap3A_25 = arith.index_cast %mul3A_24 : i32 to index
      %swap3A_26 = tpu.vector_load %arg5[%swap3A_25] {strides = array<i32>} : memref<32768xf32, #tpu.memory_space<vmem>>, vector<16xf32>,
      tpu.vector_store %arg5[%swap3A_25], %broadcast_in_dim3A_3 {strides = array<i32>} : memref<32768xf32, #tpu.memory_space<vmem>>, vector<16xf32>,
      %scan3A_27 = arith.constant 2 : i32
      %scan3A_28 = arith.addi %scan3A_17, %scan3A_27 : i32
      %mul3A_29 = arith.constant 16 : i32
      %mul3A_30 = arith.muli %scan3A_28, %mul3A_29 : i32
      %swap3A_31 = arith.index_cast %mul3A_30 : i32 to index
      %swap3A_32 = tpu.vector_load %arg5[%swap3A_31] {strides = array<i32>} : memref<32768xf32, #tpu.memory_space<vmem>>, vector<16xf32>,
      tpu.vector_store %arg5[%swap3A_31], %broadcast_in_dim3A_3 {strides = array<i32>} : memref<32768xf32, #tpu.memory_space<vmem>>, vector<16xf32>,
      %scan3A_33 = arith.constant 3 : i32
      %scan3A_34 = arith.addi %scan3A_17, %scan3A_33 : i32
      %mul3A_35 = arith.constant 16 : i32
      %mul3A_36 = arith.muli %scan3A_34, %mul3A_35 : i32
      %swap3A_37 = arith.index_cast %mul3A_36 : i32 to index
      %swap3A_38 = tpu.vector_load %arg5[%swap3A_37] {strides = array<i32>} : memref<32768xf32, #tpu.memory_space<vmem>>, vector<16xf32>,
      tpu.vector_store %arg5[%swap3A_37], %broadcast_in_dim3A_3 {strides = array<i32>} : memref<32768xf32, #tpu.memory_space<vmem>>, vector<16xf32>,
      %scan3A_39 = arith.constant 4 : i32
      %scan3A_40 = arith.addi %scan3A_17, %scan3A_39 : i32
      %mul3A_41 = arith.constant 16 : i32
      %mul3A_42 = arith.muli %scan3A_40, %mul3A_41 : i32
      %swap3A_43 = arith.index_cast %mul3A_42 : i32 to index
      %swap3A_44 = tpu.vector_load %arg5[%swap3A_43] {strides = array<i32>} : memref<32768xf32, #tpu.memory_space<vmem>>, vector<16xf32>,
      tpu.vector_store %arg5[%swap3A_43], %broadcast_in_dim3A_3 {strides = array<i32>} : memref<32768xf32, #tpu.memory_space<vmem>>, vector<16xf32>,
      %scan3A_45 = arith.constant 5 : i32
      %scan3A_46 = arith.addi %scan3A_17, %scan3A_45 : i32
      %mul3A_47 = arith.constant 16 : i32
      %mul3A_48 = arith.muli %scan3A_46, %mul3A_47 : i32
      %swap3A_49 = arith.index_cast %mul3A_48 : i32 to index
      %swap3A_50 = tpu.vector_load %arg5[%swap3A_49] {strides = array<i32>} : memref<32768xf32, #tpu.memory_space<vmem>>, vector<16xf32>,
      tpu.vector_store %arg5[%swap3A_49], %broadcast_in_dim3A_3 {strides = array<i32>} : memref<32768xf32, #tpu.memory_space<vmem>>, vector<16xf32>,
      %scan3A_51 = arith.constant 6 : i32
      %scan3A_52 = arith.addi %scan3A_17, %scan3A_51 : i32
      %mul3A_53 = arith.constant 16 : i32
      %mul3A_54 = arith.muli %scan3A_52, %mul3A_53 : i32
      %swap3A_55 = arith.index_cast %mul3A_54 : i32 to index
      %swap3A_56 = tpu.vector_load %arg5[%swap3A_55] {strides = array<i32>} : memref<32768xf32, #tpu.memory_space<vmem>>, vector<16xf32>,
      tpu.vector_store %arg5[%swap3A_55], %broadcast_in_dim3A_3 {strides = array<i32>} : memref<32768xf32, #tpu.memory_space<vmem>>, vector<16xf32>,
      %scan3A_57 = arith.constant 7 : i32
      %scan3A_58 = arith.addi %scan3A_17, %scan3A_57 : i32
      %mul3A_59 = arith.constant 16 : i32
      %mul3A_60 = arith.muli %scan3A_58, %mul3A_59 : i32
      %swap3A_61 = arith.index_cast %mul3A_60 : i32 to index
      %swap3A_62 = tpu.vector_load %arg5[%swap3A_61] {strides = array<i32>} : memref<32768xf32, #tpu.memory_space<vmem>>, vector<16xf32>,
      tpu.vector_store %arg5[%swap3A_61], %broadcast_in_dim3A_3 {strides = array<i32>} : memref<32768xf32, #tpu.memory_space<vmem>>, vector<16xf32>,
    }
    %scan3A_10 = arith.constant 2048 : i32
    %scan3A_11 = arith.constant 0 : i32
    %scan3A_12 = arith.constant 0 : i32
    %scan3A_13 = arith.constant 1024 : i32
    %scan3A_14 = arith.addi %scan3A_12, %scan3A_13 : i32
    %scan3A_15 = arith.constant 8 : i32
    scf.for %scan3A_17 = %scan3A_12 to %scan3A_14 step %scan3A_15  : i32 {
      %mul3A_18 = arith.constant 16 : i32
      %mul3A_19 = arith.muli %scan3A_17, %mul3A_18 : i32
      %get3A = arith.index_cast %mul3A_19 : i32 to index
      %get3A_20 = tpu.vector_load %arg4[%get3A] {strides = array<i32>} : memref<16384xi32, #tpu.memory_space<vmem>>, vector<16xi32>,
      %ge3A = vector.broadcast %mul3A_2 : i32 to vector<16xi32>
      %ge3A_21 = arith.cmpi sge, %get3A_20, %ge3A : vector<16xi32>
      %add3A_22 = arith.constant 32768 : i32
      %add3A_23 = arith.addi %mul3A_2, %add3A_22 : i32
      %lt3A = vector.broadcast %add3A_23 : i32 to vector<16xi32>
      %lt3A_24 = arith.cmpi slt, %get3A_20, %lt3A : vector<16xi32>
      %and3A = arith.andi %ge3A_21, %lt3A_24 : vector<16xi1>
      %sub3A = vector.broadcast %mul3A_2 : i32 to vector<16xi32>
      %sub3A_25 = arith.subi %get3A_20, %sub3A : vector<16xi32>
      %jit3A = arith.constant 0 : i32
      %broadcast_in_dim3A_26 = vector.broadcast %jit3A : i32 to vector<16xi32>
      %select_n3A = arith.select %and3A, %sub3A_25, %broadcast_in_dim3A_26 : vector<16xi1>, vector<16xi32>
      tpu.vector_store_idx %arg5[%select_n3A], %broadcast_in_dim3A_5 masked %and3A : memref<32768xf32, #tpu.memory_space<vmem>>[vector<16xi32>], vector<16xf32>, vector<16xi1>
      %scan3A_27 = arith.constant 1 : i32
      %scan3A_28 = arith.addi %scan3A_17, %scan3A_27 : i32
      %mul3A_29 = arith.constant 16 : i32
      %mul3A_30 = arith.muli %scan3A_28, %mul3A_29 : i32
      %get3A_31 = arith.index_cast %mul3A_30 : i32 to index
      %get3A_32 = tpu.vector_load %arg4[%get3A_31] {strides = array<i32>} : memref<16384xi32, #tpu.memory_space<vmem>>, vector<16xi32>,
      %ge3A_33 = vector.broadcast %mul3A_2 : i32 to vector<16xi32>
      %ge3A_34 = arith.cmpi sge, %get3A_32, %ge3A_33 : vector<16xi32>
      %add3A_35 = arith.constant 32768 : i32
      %add3A_36 = arith.addi %mul3A_2, %add3A_35 : i32
      %lt3A_37 = vector.broadcast %add3A_36 : i32 to vector<16xi32>
      %lt3A_38 = arith.cmpi slt, %get3A_32, %lt3A_37 : vector<16xi32>
      %and3A_39 = arith.andi %ge3A_34, %lt3A_38 : vector<16xi1>
      %sub3A_40 = vector.broadcast %mul3A_2 : i32 to vector<16xi32>
      %sub3A_41 = arith.subi %get3A_32, %sub3A_40 : vector<16xi32>
      %jit3A_42 = arith.constant 0 : i32
      %broadcast_in_dim3A_43 = vector.broadcast %jit3A_42 : i32 to vector<16xi32>
      %select_n3A_44 = arith.select %and3A_39, %sub3A_41, %broadcast_in_dim3A_43 : vector<16xi1>, vector<16xi32>
      tpu.vector_store_idx %arg5[%select_n3A_44], %broadcast_in_dim3A_5 masked %and3A_39 : memref<32768xf32, #tpu.memory_space<vmem>>[vector<16xi32>], vector<16xf32>, vector<16xi1>
      %scan3A_45 = arith.constant 2 : i32
      %scan3A_46 = arith.addi %scan3A_17, %scan3A_45 : i32
      %mul3A_47 = arith.constant 16 : i32
      %mul3A_48 = arith.muli %scan3A_46, %mul3A_47 : i32
      %get3A_49 = arith.index_cast %mul3A_48 : i32 to index
      %get3A_50 = tpu.vector_load %arg4[%get3A_49] {strides = array<i32>} : memref<16384xi32, #tpu.memory_space<vmem>>, vector<16xi32>,
      %ge3A_51 = vector.broadcast %mul3A_2 : i32 to vector<16xi32>
      %ge3A_52 = arith.cmpi sge, %get3A_50, %ge3A_51 : vector<16xi32>
      %add3A_53 = arith.constant 32768 : i32
      %add3A_54 = arith.addi %mul3A_2, %add3A_53 : i32
      %lt3A_55 = vector.broadcast %add3A_54 : i32 to vector<16xi32>
      %lt3A_56 = arith.cmpi slt, %get3A_50, %lt3A_55 : vector<16xi32>
      %and3A_57 = arith.andi %ge3A_52, %lt3A_56 : vector<16xi1>
      %sub3A_58 = vector.broadcast %mul3A_2 : i32 to vector<16xi32>
      %sub3A_59 = arith.subi %get3A_50, %sub3A_58 : vector<16xi32>
      %jit3A_60 = arith.constant 0 : i32
      %broadcast_in_dim3A_61 = vector.broadcast %jit3A_60 : i32 to vector<16xi32>
      %select_n3A_62 = arith.select %and3A_57, %sub3A_59, %broadcast_in_dim3A_61 : vector<16xi1>, vector<16xi32>
      tpu.vector_store_idx %arg5[%select_n3A_62], %broadcast_in_dim3A_5 masked %and3A_57 : memref<32768xf32, #tpu.memory_space<vmem>>[vector<16xi32>], vector<16xf32>, vector<16xi1>
      %scan3A_63 = arith.constant 3 : i32
      %scan3A_64 = arith.addi %scan3A_17, %scan3A_63 : i32
      %mul3A_65 = arith.constant 16 : i32
      %mul3A_66 = arith.muli %scan3A_64, %mul3A_65 : i32
      %get3A_67 = arith.index_cast %mul3A_66 : i32 to index
      %get3A_68 = tpu.vector_load %arg4[%get3A_67] {strides = array<i32>} : memref<16384xi32, #tpu.memory_space<vmem>>, vector<16xi32>,
      %ge3A_69 = vector.broadcast %mul3A_2 : i32 to vector<16xi32>
      %ge3A_70 = arith.cmpi sge, %get3A_68, %ge3A_69 : vector<16xi32>
      %add3A_71 = arith.constant 32768 : i32
      %add3A_72 = arith.addi %mul3A_2, %add3A_71 : i32
      %lt3A_73 = vector.broadcast %add3A_72 : i32 to vector<16xi32>
      %lt3A_74 = arith.cmpi slt, %get3A_68, %lt3A_73 : vector<16xi32>
      %and3A_75 = arith.andi %ge3A_70, %lt3A_74 : vector<16xi1>
      %sub3A_76 = vector.broadcast %mul3A_2 : i32 to vector<16xi32>
      %sub3A_77 = arith.subi %get3A_68, %sub3A_76 : vector<16xi32>
      %jit3A_78 = arith.constant 0 : i32
      %broadcast_in_dim3A_79 = vector.broadcast %jit3A_78 : i32 to vector<16xi32>
      %select_n3A_80 = arith.select %and3A_75, %sub3A_77, %broadcast_in_dim3A_79 : vector<16xi1>, vector<16xi32>
      tpu.vector_store_idx %arg5[%select_n3A_80], %broadcast_in_dim3A_5 masked %and3A_75 : memref<32768xf32, #tpu.memory_space<vmem>>[vector<16xi32>], vector<16xf32>, vector<16xi1>
      %scan3A_81 = arith.constant 4 : i32
      %scan3A_82 = arith.addi %scan3A_17, %scan3A_81 : i32
      %mul3A_83 = arith.constant 16 : i32
      %mul3A_84 = arith.muli %scan3A_82, %mul3A_83 : i32
      %get3A_85 = arith.index_cast %mul3A_84 : i32 to index
      %get3A_86 = tpu.vector_load %arg4[%get3A_85] {strides = array<i32>} : memref<16384xi32, #tpu.memory_space<vmem>>, vector<16xi32>,
      %ge3A_87 = vector.broadcast %mul3A_2 : i32 to vector<16xi32>
      %ge3A_88 = arith.cmpi sge, %get3A_86, %ge3A_87 : vector<16xi32>
      %add3A_89 = arith.constant 32768 : i32
      %add3A_90 = arith.addi %mul3A_2, %add3A_89 : i32
      %lt3A_91 = vector.broadcast %add3A_90 : i32 to vector<16xi32>
      %lt3A_92 = arith.cmpi slt, %get3A_86, %lt3A_91 : vector<16xi32>
      %and3A_93 = arith.andi %ge3A_88, %lt3A_92 : vector<16xi1>
      %sub3A_94 = vector.broadcast %mul3A_2 : i32 to vector<16xi32>
      %sub3A_95 = arith.subi %get3A_86, %sub3A_94 : vector<16xi32>
      %jit3A_96 = arith.constant 0 : i32
      %broadcast_in_dim3A_97 = vector.broadcast %jit3A_96 : i32 to vector<16xi32>
      %select_n3A_98 = arith.select %and3A_93, %sub3A_95, %broadcast_in_dim3A_97 : vector<16xi1>, vector<16xi32>
      tpu.vector_store_idx %arg5[%select_n3A_98], %broadcast_in_dim3A_5 masked %and3A_93 : memref<32768xf32, #tpu.memory_space<vmem>>[vector<16xi32>], vector<16xf32>, vector<16xi1>
      %scan3A_99 = arith.constant 5 : i32
      %scan3A_100 = arith.addi %scan3A_17, %scan3A_99 : i32
      %mul3A_101 = arith.constant 16 : i32
      %mul3A_102 = arith.muli %scan3A_100, %mul3A_101 : i32
      %get3A_103 = arith.index_cast %mul3A_102 : i32 to index
      %get3A_104 = tpu.vector_load %arg4[%get3A_103] {strides = array<i32>} : memref<16384xi32, #tpu.memory_space<vmem>>, vector<16xi32>,
      %ge3A_105 = vector.broadcast %mul3A_2 : i32 to vector<16xi32>
      %ge3A_106 = arith.cmpi sge, %get3A_104, %ge3A_105 : vector<16xi32>
      %add3A_107 = arith.constant 32768 : i32
      %add3A_108 = arith.addi %mul3A_2, %add3A_107 : i32
      %lt3A_109 = vector.broadcast %add3A_108 : i32 to vector<16xi32>
      %lt3A_110 = arith.cmpi slt, %get3A_104, %lt3A_109 : vector<16xi32>
      %and3A_111 = arith.andi %ge3A_106, %lt3A_110 : vector<16xi1>
      %sub3A_112 = vector.broadcast %mul3A_2 : i32 to vector<16xi32>
      %sub3A_113 = arith.subi %get3A_104, %sub3A_112 : vector<16xi32>
      %jit3A_114 = arith.constant 0 : i32
      %broadcast_in_dim3A_115 = vector.broadcast %jit3A_114 : i32 to vector<16xi32>
      %select_n3A_116 = arith.select %and3A_111, %sub3A_113, %broadcast_in_dim3A_115 : vector<16xi1>, vector<16xi32>
      tpu.vector_store_idx %arg5[%select_n3A_116], %broadcast_in_dim3A_5 masked %and3A_111 : memref<32768xf32, #tpu.memory_space<vmem>>[vector<16xi32>], vector<16xf32>, vector<16xi1>
      %scan3A_117 = arith.constant 6 : i32
      %scan3A_118 = arith.addi %scan3A_17, %scan3A_117 : i32
      %mul3A_119 = arith.constant 16 : i32
      %mul3A_120 = arith.muli %scan3A_118, %mul3A_119 : i32
      %get3A_121 = arith.index_cast %mul3A_120 : i32 to index
      %get3A_122 = tpu.vector_load %arg4[%get3A_121] {strides = array<i32>} : memref<16384xi32, #tpu.memory_space<vmem>>, vector<16xi32>,
      %ge3A_123 = vector.broadcast %mul3A_2 : i32 to vector<16xi32>
      %ge3A_124 = arith.cmpi sge, %get3A_122, %ge3A_123 : vector<16xi32>
      %add3A_125 = arith.constant 32768 : i32
      %add3A_126 = arith.addi %mul3A_2, %add3A_125 : i32
      %lt3A_127 = vector.broadcast %add3A_126 : i32 to vector<16xi32>
      %lt3A_128 = arith.cmpi slt, %get3A_122, %lt3A_127 : vector<16xi32>
      %and3A_129 = arith.andi %ge3A_124, %lt3A_128 : vector<16xi1>
      %sub3A_130 = vector.broadcast %mul3A_2 : i32 to vector<16xi32>
      %sub3A_131 = arith.subi %get3A_122, %sub3A_130 : vector<16xi32>
      %jit3A_132 = arith.constant 0 : i32
      %broadcast_in_dim3A_133 = vector.broadcast %jit3A_132 : i32 to vector<16xi32>
      %select_n3A_134 = arith.select %and3A_129, %sub3A_131, %broadcast_in_dim3A_133 : vector<16xi1>, vector<16xi32>
      tpu.vector_store_idx %arg5[%select_n3A_134], %broadcast_in_dim3A_5 masked %and3A_129 : memref<32768xf32, #tpu.memory_space<vmem>>[vector<16xi32>], vector<16xf32>, vector<16xi1>
      %scan3A_135 = arith.constant 7 : i32
      %scan3A_136 = arith.addi %scan3A_17, %scan3A_135 : i32
      %mul3A_137 = arith.constant 16 : i32
      %mul3A_138 = arith.muli %scan3A_136, %mul3A_137 : i32
      %get3A_139 = arith.index_cast %mul3A_138 : i32 to index
      %get3A_140 = tpu.vector_load %arg4[%get3A_139] {strides = array<i32>} : memref<16384xi32, #tpu.memory_space<vmem>>, vector<16xi32>,
      %ge3A_141 = vector.broadcast %mul3A_2 : i32 to vector<16xi32>
      %ge3A_142 = arith.cmpi sge, %get3A_140, %ge3A_141 : vector<16xi32>
      %add3A_143 = arith.constant 32768 : i32
      %add3A_144 = arith.addi %mul3A_2, %add3A_143 : i32
      %lt3A_145 = vector.broadcast %add3A_144 : i32 to vector<16xi32>
      %lt3A_146 = arith.cmpi slt, %get3A_140, %lt3A_145 : vector<16xi32>
      %and3A_147 = arith.andi %ge3A_142, %lt3A_146 : vector<16xi1>
      %sub3A_148 = vector.broadcast %mul3A_2 : i32 to vector<16xi32>
      %sub3A_149 = arith.subi %get3A_140, %sub3A_148 : vector<16xi32>
      %jit3A_150 = arith.constant 0 : i32
      %broadcast_in_dim3A_151 = vector.broadcast %jit3A_150 : i32 to vector<16xi32>
      %select_n3A_152 = arith.select %and3A_147, %sub3A_149, %broadcast_in_dim3A_151 : vector<16xi1>, vector<16xi32>
      tpu.vector_store_idx %arg5[%select_n3A_152], %broadcast_in_dim3A_5 masked %and3A_147 : memref<32768xf32, #tpu.memory_space<vmem>>[vector<16xi32>], vector<16xf32>, vector<16xi1>
    }
    %scan3A_16 = arith.constant 1024 : i32
    "tpu.region"() ({
      %run_scoped3A = tpu.sem_alloc : memref<!tpu.dma_semaphore, #tpu.memory_space<semaphore_mem>>
      %dma_start3A = tpu.memref_slice %arg3[%mul3A_2] : memref<1048576xf32, #tpu.memory_space<hbm>> -> memref<32768xf32, #tpu.memory_space<hbm>>
      %dma_start3A_17 = tpu.memref_slice %arg3[%mul3A_2] : memref<1048576xf32, #tpu.memory_space<hbm>> -> memref<32768xf32, #tpu.memory_space<hbm>>
      tpu.enqueue_dma source(%arg5 : memref<32768xf32, #tpu.memory_space<vmem>>) target(%dma_start3A_17 : memref<32768xf32, #tpu.memory_space<hbm>>) target_semaphore(%run_scoped3A : memref<!tpu.dma_semaphore, #tpu.memory_space<semaphore_mem>>)
      %dma_wait3A = tpu.memref_slice %arg3[%mul3A_2] : memref<1048576xf32, #tpu.memory_space<hbm>> -> memref<32768xf32, #tpu.memory_space<hbm>>
      %dma_wait3A_18 = tpu.memref_slice %arg3[%mul3A_2] : memref<1048576xf32, #tpu.memory_space<hbm>> -> memref<32768xf32, #tpu.memory_space<hbm>>
      tpu.wait_dma2 semaphore(%run_scoped3A : memref<!tpu.dma_semaphore, #tpu.memory_space<semaphore_mem>>) src(%arg5 : memref<32768xf32, #tpu.memory_space<vmem>>) dst(%dma_wait3A_18 : memref<32768xf32, #tpu.memory_space<hbm>>)
      tpu.yield
    }) : () -> ()
    return
  }
}

#map = affine_map<(d0, d1) -> (0)>
#map1 = affine_map<(d0, d1) -> (0, 0)>
module attributes {stable_mosaic.version = 14 : i64} {
  func.func @_sc_wgather(%arg0: i32, %arg1: i32, %arg2: memref<16384xi32, #tpu.memory_space<hbm>>, %arg3: memref<1000000x32xf32, #tpu.memory_space<hbm>>, %arg4: memref<16384x32xf32, #tpu.memory_space<hbm>>, %arg5: memref<512xi32, #tpu.memory_space<vmem>>, %arg6: memref<512x32xf32, #tpu.memory_space<vmem>>, %arg7: memref<!tpu.dma_semaphore, #tpu.memory_space<semaphore_mem>>) attributes {dimension_semantics = [#tpu.dimension_semantics<core_parallel>, #tpu.dimension_semantics<subcore_parallel>], iteration_bounds = array<i64: 2, 16>, scalar_prefetch = 0 : i64, scratch_operands = 3 : i64, tpu.core_type = #tpu.core_type<sc_vector_subcore>, window_params = [{transform_indices = #map}, {transform_indices = #map1}, {transform_indices = #map1}]} {
    %mul3A = arith.constant 2 : i32
    %mul3A_0 = arith.muli %arg1, %mul3A : i32
    %add3A = arith.addi %mul3A_0, %arg0 : i32
    %mul3A_1 = arith.constant 512 : i32
    %mul3A_2 = arith.muli %add3A, %mul3A_1 : i32
    "tpu.region"() ({
      %run_scoped3A = tpu.sem_alloc : memref<!tpu.dma_semaphore, #tpu.memory_space<semaphore_mem>>
      %dma_start3A_7 = tpu.memref_slice %arg2[%mul3A_2] : memref<16384xi32, #tpu.memory_space<hbm>> -> memref<512xi32, #tpu.memory_space<hbm>>
      %dma_start3A_8 = tpu.memref_slice %arg2[%mul3A_2] : memref<16384xi32, #tpu.memory_space<hbm>> -> memref<512xi32, #tpu.memory_space<hbm>>
      tpu.enqueue_dma source(%dma_start3A_8 : memref<512xi32, #tpu.memory_space<hbm>>) target(%arg5 : memref<512xi32, #tpu.memory_space<vmem>>) target_semaphore(%run_scoped3A : memref<!tpu.dma_semaphore, #tpu.memory_space<semaphore_mem>>)
      %dma_wait3A_9 = tpu.memref_slice %arg2[%mul3A_2] : memref<16384xi32, #tpu.memory_space<hbm>> -> memref<512xi32, #tpu.memory_space<hbm>>
      %dma_wait3A_10 = tpu.memref_slice %arg2[%mul3A_2] : memref<16384xi32, #tpu.memory_space<hbm>> -> memref<512xi32, #tpu.memory_space<hbm>>
      tpu.wait_dma2 semaphore(%run_scoped3A : memref<!tpu.dma_semaphore, #tpu.memory_space<semaphore_mem>>) src(%dma_wait3A_10 : memref<512xi32, #tpu.memory_space<hbm>>) dst(%arg5 : memref<512xi32, #tpu.memory_space<vmem>>)
      tpu.yield
    }) : () -> ()
    %dma_start3A = arith.constant 0 : i32
    %dma_start3A_3 = arith.constant 0 : i32
    %dma_start3A_4 = tpu.memref_slice %arg3[%dma_start3A, %dma_start3A_3] : memref<1000000x32xf32, #tpu.memory_space<hbm>> -> memref<1000000x32xf32, #tpu.memory_space<hbm>>
    tpu.enqueue_indirect_dma source(%dma_start3A_4 : memref<1000000x32xf32, #tpu.memory_space<hbm>>) target(%arg6 : memref<512x32xf32, #tpu.memory_space<vmem>>) offsets(%arg5 : memref<512xi32, #tpu.memory_space<vmem>>) semaphore(%arg7 : memref<!tpu.dma_semaphore, #tpu.memory_space<semaphore_mem>>)
    %dma_wait3A = arith.constant 0 : i32
    %dma_wait3A_5 = arith.constant 0 : i32
    %dma_wait3A_6 = tpu.memref_slice %arg3[%dma_wait3A, %dma_wait3A_5] : memref<1000000x32xf32, #tpu.memory_space<hbm>> -> memref<1000000x32xf32, #tpu.memory_space<hbm>>
    tpu.wait_indirect_dma semaphore(%arg7 : memref<!tpu.dma_semaphore, #tpu.memory_space<semaphore_mem>>) src(%dma_wait3A_6 : memref<1000000x32xf32, #tpu.memory_space<hbm>>) dst(%arg6 : memref<512x32xf32, #tpu.memory_space<vmem>>)
    "tpu.region"() ({
      %run_scoped3A = tpu.sem_alloc : memref<!tpu.dma_semaphore, #tpu.memory_space<semaphore_mem>>
      %dma_start3A_7 = arith.constant 0 : i32
      %dma_start3A_8 = tpu.memref_slice %arg4[%mul3A_2, %dma_start3A_7] : memref<16384x32xf32, #tpu.memory_space<hbm>> -> memref<512x32xf32, #tpu.memory_space<hbm>>
      %dma_start3A_9 = arith.constant 0 : i32
      %dma_start3A_10 = tpu.memref_slice %arg4[%mul3A_2, %dma_start3A_9] : memref<16384x32xf32, #tpu.memory_space<hbm>> -> memref<512x32xf32, #tpu.memory_space<hbm>>
      tpu.enqueue_dma source(%arg6 : memref<512x32xf32, #tpu.memory_space<vmem>>) target(%dma_start3A_10 : memref<512x32xf32, #tpu.memory_space<hbm>>) target_semaphore(%run_scoped3A : memref<!tpu.dma_semaphore, #tpu.memory_space<semaphore_mem>>)
      %dma_wait3A_11 = arith.constant 0 : i32
      %dma_wait3A_12 = tpu.memref_slice %arg4[%mul3A_2, %dma_wait3A_11] : memref<16384x32xf32, #tpu.memory_space<hbm>> -> memref<512x32xf32, #tpu.memory_space<hbm>>
      %dma_wait3A_13 = arith.constant 0 : i32
      %dma_wait3A_14 = tpu.memref_slice %arg4[%mul3A_2, %dma_wait3A_13] : memref<16384x32xf32, #tpu.memory_space<hbm>> -> memref<512x32xf32, #tpu.memory_space<hbm>>
      tpu.wait_dma2 semaphore(%run_scoped3A : memref<!tpu.dma_semaphore, #tpu.memory_space<semaphore_mem>>) src(%arg6 : memref<512x32xf32, #tpu.memory_space<vmem>>) dst(%dma_wait3A_14 : memref<512x32xf32, #tpu.memory_space<hbm>>)
      tpu.yield
    }) : () -> ()
    return
  }
}

#map = affine_map<(d0, d1) -> (0)>
module attributes {stable_mosaic.version = 14 : i64} {
  func.func @_sc_rank_gather(%arg0: i32, %arg1: i32, %arg2: memref<16384xi32, #tpu.memory_space<hbm>>, %arg3: memref<1048576xi32, #tpu.memory_space<hbm>>, %arg4: memref<16384xi32, #tpu.memory_space<hbm>>, %arg5: memref<512xi32, #tpu.memory_space<vmem>>, %arg6: memref<512xi32, #tpu.memory_space<vmem>>, %arg7: memref<!tpu.dma_semaphore, #tpu.memory_space<semaphore_mem>>) attributes {dimension_semantics = [#tpu.dimension_semantics<core_parallel>, #tpu.dimension_semantics<subcore_parallel>], iteration_bounds = array<i64: 2, 16>, scalar_prefetch = 0 : i64, scratch_operands = 3 : i64, tpu.core_type = #tpu.core_type<sc_vector_subcore>, window_params = [{transform_indices = #map}, {transform_indices = #map}, {transform_indices = #map}]} {
    %mul3A = arith.constant 2 : i32
    %mul3A_0 = arith.muli %arg1, %mul3A : i32
    %add3A = arith.addi %mul3A_0, %arg0 : i32
    %mul3A_1 = arith.constant 512 : i32
    %mul3A_2 = arith.muli %add3A, %mul3A_1 : i32
    "tpu.region"() ({
      %run_scoped3A = tpu.sem_alloc : memref<!tpu.dma_semaphore, #tpu.memory_space<semaphore_mem>>
      %dma_start3A_5 = tpu.memref_slice %arg2[%mul3A_2] : memref<16384xi32, #tpu.memory_space<hbm>> -> memref<512xi32, #tpu.memory_space<hbm>>
      %dma_start3A_6 = tpu.memref_slice %arg2[%mul3A_2] : memref<16384xi32, #tpu.memory_space<hbm>> -> memref<512xi32, #tpu.memory_space<hbm>>
      tpu.enqueue_dma source(%dma_start3A_6 : memref<512xi32, #tpu.memory_space<hbm>>) target(%arg5 : memref<512xi32, #tpu.memory_space<vmem>>) target_semaphore(%run_scoped3A : memref<!tpu.dma_semaphore, #tpu.memory_space<semaphore_mem>>)
      %dma_wait3A_7 = tpu.memref_slice %arg2[%mul3A_2] : memref<16384xi32, #tpu.memory_space<hbm>> -> memref<512xi32, #tpu.memory_space<hbm>>
      %dma_wait3A_8 = tpu.memref_slice %arg2[%mul3A_2] : memref<16384xi32, #tpu.memory_space<hbm>> -> memref<512xi32, #tpu.memory_space<hbm>>
      tpu.wait_dma2 semaphore(%run_scoped3A : memref<!tpu.dma_semaphore, #tpu.memory_space<semaphore_mem>>) src(%dma_wait3A_8 : memref<512xi32, #tpu.memory_space<hbm>>) dst(%arg5 : memref<512xi32, #tpu.memory_space<vmem>>)
      tpu.yield
    }) : () -> ()
    %dma_start3A = arith.constant 0 : i32
    %dma_start3A_3 = tpu.memref_slice %arg3[%dma_start3A] : memref<1048576xi32, #tpu.memory_space<hbm>> -> memref<1048576xi32, #tpu.memory_space<hbm>>
    tpu.enqueue_indirect_dma source(%dma_start3A_3 : memref<1048576xi32, #tpu.memory_space<hbm>>) target(%arg6 : memref<512xi32, #tpu.memory_space<vmem>>) offsets(%arg5 : memref<512xi32, #tpu.memory_space<vmem>>) semaphore(%arg7 : memref<!tpu.dma_semaphore, #tpu.memory_space<semaphore_mem>>)
    %dma_wait3A = arith.constant 0 : i32
    %dma_wait3A_4 = tpu.memref_slice %arg3[%dma_wait3A] : memref<1048576xi32, #tpu.memory_space<hbm>> -> memref<1048576xi32, #tpu.memory_space<hbm>>
    tpu.wait_indirect_dma semaphore(%arg7 : memref<!tpu.dma_semaphore, #tpu.memory_space<semaphore_mem>>) src(%dma_wait3A_4 : memref<1048576xi32, #tpu.memory_space<hbm>>) dst(%arg6 : memref<512xi32, #tpu.memory_space<vmem>>)
    "tpu.region"() ({
      %run_scoped3A = tpu.sem_alloc : memref<!tpu.dma_semaphore, #tpu.memory_space<semaphore_mem>>
      %dma_start3A_5 = tpu.memref_slice %arg4[%mul3A_2] : memref<16384xi32, #tpu.memory_space<hbm>> -> memref<512xi32, #tpu.memory_space<hbm>>
      %dma_start3A_6 = tpu.memref_slice %arg4[%mul3A_2] : memref<16384xi32, #tpu.memory_space<hbm>> -> memref<512xi32, #tpu.memory_space<hbm>>
      tpu.enqueue_dma source(%arg6 : memref<512xi32, #tpu.memory_space<vmem>>) target(%dma_start3A_6 : memref<512xi32, #tpu.memory_space<hbm>>) target_semaphore(%run_scoped3A : memref<!tpu.dma_semaphore, #tpu.memory_space<semaphore_mem>>)
      %dma_wait3A_7 = tpu.memref_slice %arg4[%mul3A_2] : memref<16384xi32, #tpu.memory_space<hbm>> -> memref<512xi32, #tpu.memory_space<hbm>>
      %dma_wait3A_8 = tpu.memref_slice %arg4[%mul3A_2] : memref<16384xi32, #tpu.memory_space<hbm>> -> memref<512xi32, #tpu.memory_space<hbm>>
      tpu.wait_dma2 semaphore(%run_scoped3A : memref<!tpu.dma_semaphore, #tpu.memory_space<semaphore_mem>>) src(%arg6 : memref<512xi32, #tpu.memory_space<vmem>>) dst(%dma_wait3A_8 : memref<512xi32, #tpu.memory_space<hbm>>)
      tpu.yield
    }) : () -> ()
    return
  }
}

module attributes {stable_mosaic.version = 14 : i64} {
  func.func @_tc_prefix_body(%arg0: memref<8192x128xf32, #tpu.memory_space<vmem>>, %arg1: memref<8192x128xi32, #tpu.memory_space<vmem>>) attributes {dimension_semantics = [], scalar_prefetch = 0 : i64, scratch_operands = 0 : i64, tpu.core_type = #tpu.core_type<tc>} {
    %get3A = arith.constant 0 : index
    %get3A_0 = arith.constant 0 : index
    %get3A_1 = vector.load %arg0[%get3A, %get3A_0] : memref<8192x128xf32, #tpu.memory_space<vmem>>, vector<8192x128xf32>
    %iota3A = tpu.iota {dimensions = array<i32: 0>} : vector<128x128xi32>
    %iota3A_2 = tpu.iota {dimensions = array<i32: 1>} : vector<128x128xi32>
    %le3A = arith.cmpi sle, %iota3A, %iota3A_2 : vector<128x128xi32>
    %convert_element_type3A = arith.extui %le3A : vector<128x128xi1> to vector<128x128xi32>
    %convert_element_type3A_3 = arith.sitofp %convert_element_type3A : vector<128x128xi32> to vector<128x128xf32>
    %convert_element_type3A_4 = arith.truncf %convert_element_type3A_3 : vector<128x128xf32> to vector<128x128xbf16>
    %convert_element_type3A_5 = arith.truncf %get3A_1 : vector<8192x128xf32> to vector<8192x128xbf16>
    %dot_general3A = arith.constant dense<0.000000e+00> : vector<8192x128xf32>
    %dot_general3A_6 = tpu.matmul %convert_element_type3A_5, %convert_element_type3A_4, %dot_general3A {dimension_numbers = #tpu.dot_dimension_numbers<[1], [0], [0], [1], [0, 0, 1, 1], [], []>, transpose_lhs_hint = false} : vector<8192x128xbf16>, vector<128x128xbf16>, vector<8192x128xf32> -> vector<8192x128xf32>
    %slice3A = vector.extract_strided_slice %dot_general3A_6 {offsets = [0, 127], sizes = [8192, 1], strides = [1, 1]} : vector<8192x128xf32> to vector<8192x1xf32>
    %transpose3A = tpu.transpose %slice3A, [1, 0] : vector<8192x1xf32> -> vector<1x8192xf32>
    %reshape3A = vector.shape_cast %transpose3A : vector<1x8192xf32> to vector<64x128xf32>
    %convert_element_type3A_7 = arith.truncf %reshape3A : vector<64x128xf32> to vector<64x128xbf16>
    %dot_general3A_8 = arith.constant dense<0.000000e+00> : vector<64x128xf32>
    %dot_general3A_9 = tpu.matmul %convert_element_type3A_7, %convert_element_type3A_4, %dot_general3A_8 {dimension_numbers = #tpu.dot_dimension_numbers<[1], [0], [0], [1], [0, 0, 1, 1], [], []>, transpose_lhs_hint = false} : vector<64x128xbf16>, vector<128x128xbf16>, vector<64x128xf32> -> vector<64x128xf32>
    %slice3A_10 = vector.extract_strided_slice %dot_general3A_9 {offsets = [0, 127], sizes = [64, 1], strides = [1, 1]} : vector<64x128xf32> to vector<64x1xf32>
    %iota3A_11 = tpu.iota {dimensions = array<i32: 0>} : vector<64x64xi32>
    %iota3A_12 = tpu.iota {dimensions = array<i32: 1>} : vector<64x64xi32>
    %gt3A = arith.cmpi sgt, %iota3A_11, %iota3A_12 : vector<64x64xi32>
    %convert_element_type3A_13 = arith.extui %gt3A : vector<64x64xi1> to vector<64x64xi32>
    %convert_element_type3A_14 = arith.sitofp %convert_element_type3A_13 : vector<64x64xi32> to vector<64x64xf32>
    %dot_general3A_15 = arith.constant dense<0.000000e+00> : vector<64x1xf32>
    %dot_general3A_16 = tpu.matmul %convert_element_type3A_14, %slice3A_10, %dot_general3A_15 {dimension_numbers = #tpu.dot_dimension_numbers<[1], [0], [0], [1], [0, 0, 1, 1], [], []>, precision = #tpu.contract_precision<fp32>, transpose_lhs_hint = false} : vector<64x64xf32>, vector<64x1xf32>, vector<64x1xf32> -> vector<64x1xf32>
    %add3A = vector.broadcast %dot_general3A_16 : vector<64x1xf32> to vector<64x128xf32>
    %add3A_17 = arith.addf %add3A, %dot_general3A_9 : vector<64x128xf32>
    %sub3A = arith.subf %add3A_17, %reshape3A : vector<64x128xf32>
    %reshape3A_18 = vector.shape_cast %sub3A : vector<64x128xf32> to vector<1x8192xf32>
    %transpose3A_19 = tpu.transpose %reshape3A_18, [1, 0] : vector<1x8192xf32> -> vector<8192x1xf32>
    %add3A_20 = vector.broadcast %transpose3A_19 : vector<8192x1xf32> to vector<8192x128xf32>
    %add3A_21 = arith.addf %dot_general3A_6, %add3A_20 : vector<8192x128xf32>
    %convert_element_type3A_22 = arith.fptosi %add3A_21 : vector<8192x128xf32> to vector<8192x128xi32>
    %sub3A_23 = arith.constant 1 : i32
    %sub3A_24 = vector.broadcast %sub3A_23 : i32 to vector<8192x128xi32>
    %sub3A_25 = arith.subi %convert_element_type3A_22, %sub3A_24 : vector<8192x128xi32>
    %swap3A = arith.constant 0 : index
    %swap3A_26 = arith.constant 0 : index
    %swap3A_27 = vector.load %arg1[%swap3A, %swap3A_26] : memref<8192x128xi32, #tpu.memory_space<vmem>>, vector<8192x128xi32>
    tpu.vector_store %arg1[%swap3A, %swap3A_26], %sub3A_25 {strides = array<i32>} : memref<8192x128xi32, #tpu.memory_space<vmem>>, vector<8192x128xi32>,
    return
  }
}

module attributes {stable_mosaic.version = 14 : i64} {
  func.func @_tc_relayout_body(%arg0: i32, %arg1: memref<32x16384xf32, #tpu.memory_space<vmem>>, %arg2: memref<4096x128xf32, #tpu.memory_space<vmem>>) attributes {dimension_semantics = [#tpu.dimension_semantics<arbitrary>], iteration_bounds = array<i64: 62>, scalar_prefetch = 0 : i64, scratch_operands = 0 : i64, tpu.core_type = #tpu.core_type<tc>, window_params = [{transform_indices = @transform_0, window_bounds = array<i64: 32, 16384>}, {transform_indices = @transform_1, window_bounds = array<i64: 4096, 128>}]} {
    %get3A = arith.constant 0 : index
    %get3A_0 = arith.constant 0 : index
    %get3A_1 = vector.load %arg1[%get3A, %get3A_0] : memref<32x16384xf32, #tpu.memory_space<vmem>>, vector<32x16384xf32>
    %transpose3A = tpu.transpose %get3A_1, [1, 0] : vector<32x16384xf32> -> vector<16384x32xf32>
    %reshape3A = vector.shape_cast %transpose3A : vector<16384x32xf32> to vector<4096x4x32xf32>
    %slice3A = vector.extract_strided_slice %reshape3A {offsets = [0, 0, 0], sizes = [4096, 1, 32], strides = [1, 1, 1]} : vector<4096x4x32xf32> to vector<4096x1x32xf32>
    %squeeze3A = vector.shape_cast %slice3A : vector<4096x1x32xf32> to vector<4096x32xf32>
    %slice3A_2 = vector.extract_strided_slice %reshape3A {offsets = [0, 1, 0], sizes = [4096, 1, 32], strides = [1, 1, 1]} : vector<4096x4x32xf32> to vector<4096x1x32xf32>
    %squeeze3A_3 = vector.shape_cast %slice3A_2 : vector<4096x1x32xf32> to vector<4096x32xf32>
    %slice3A_4 = vector.extract_strided_slice %reshape3A {offsets = [0, 2, 0], sizes = [4096, 1, 32], strides = [1, 1, 1]} : vector<4096x4x32xf32> to vector<4096x1x32xf32>
    %squeeze3A_5 = vector.shape_cast %slice3A_4 : vector<4096x1x32xf32> to vector<4096x32xf32>
    %slice3A_6 = vector.extract_strided_slice %reshape3A {offsets = [0, 3, 0], sizes = [4096, 1, 32], strides = [1, 1, 1]} : vector<4096x4x32xf32> to vector<4096x1x32xf32>
    %squeeze3A_7 = vector.shape_cast %slice3A_6 : vector<4096x1x32xf32> to vector<4096x32xf32>
    %concatenate3A = tpu.concatenate %squeeze3A, %squeeze3A_3, %squeeze3A_5, %squeeze3A_7 in 1 : vector<4096x32xf32>, vector<4096x32xf32>, vector<4096x32xf32>, vector<4096x32xf32> -> vector<4096x128xf32>
    %swap3A = arith.constant 0 : index
    %swap3A_8 = arith.constant 0 : index
    %swap3A_9 = vector.load %arg2[%swap3A, %swap3A_8] : memref<4096x128xf32, #tpu.memory_space<vmem>>, vector<4096x128xf32>
    tpu.vector_store %arg2[%swap3A, %swap3A_8], %concatenate3A {strides = array<i32>} : memref<4096x128xf32, #tpu.memory_space<vmem>>, vector<4096x128xf32>,
    return
  }
  func.func @transform_0(%arg0: i32) -> (i32, i32) {
    %c0_i32 = arith.constant 0 : i32
    %c0_i32_0 = arith.constant 0 : i32
    return %c0_i32, %arg0 : i32, i32
  }
  func.func @transform_1(%arg0: i32) -> (i32, i32) {
    %c0_i32 = arith.constant 0 : i32
    %c0_i32_0 = arith.constant 0 : i32
    return %arg0, %c0_i32 : i32, i32
  }
}

</mosaic_0001>

<sc_bundles>
// kernel: kernel.10.cloned.1.call-start
scs
__scs_entry_jumppad:
0x0: {  	(pc) =	sbr.rel $0x88, $3  }
0x1: {  	(tag) =	ssettag $0x0;
	lr =	simm.s32 $0x1  }
0x2: {  	[smem:$0x3F9F] =	sst lr;
	_ =	strace $0xD0000000  }
0x3: {  	_ = 	snop  }
0x4: {  	_ = 	snop  }
0x5: {  	_ = 	snop  }
0x6: {  	_ = 	snop  }
0x7: {  	_ = 	snop  }
__scs_overlays_trampoline_lowered:
0x8: {  	[smem:$0x3FAE] =	sst s0  }
0x9: {  	[smem:$0x3FAF] =	sst s1  }
0xa: {  	[smem:$0x3FB0] =	sst s2  }
0xb: {  	[smem:$0x3FB1] =	sst s3  }
0xc: {  	[smem:$0x3FB2] =	sst s4  }
0xd: {  	[smem:$0x3FB3] =	sst s5  }
0xe: {  	[smem:$0x3FB4] =	sst s6  }
0xf: {  	[smem:$0x3FB5] =	sst s7  }
0x10: {  	[smem:$0x3FB6] =	sst s8  }
0x11: {  	[smem:$0x3FB7] =	sst s9;
	s0 =	simm.s32 @!p0 $0x0  }
0x12: {  	s1 =	sld [smem:$0x3F9D];
	s0 =	simm.s32 @p0 $0x1  }
0x13: {  	[smem:$0x3FB8] =	sst s0;
	s0 =	simm.s32 @!p1 $0x0  }
0x14: {  	s2 =	sld [smem:$0x3F9C];
	s0 =	simm.s32 @p1 $0x1  }
0x15: {  	[smem:$0x3FB9] =	sst s0;
	s0 =	simm.s32 @!p2 $0x0  }
0x16: {  	s3 =	sld [smem:$0x3FDB];
	s0 =	simm.s32 @p2 $0x1  }
0x17: {  	s4 =	simm.s32 $0x1BF5;
	[smem:$0x3FBB] =	sst s0  }
0x18: {  	s0 =	sld [smem:$0x3F9E];
	_ =	swait.ge [sflag:s4], $0x0  }
0x19: {  	s7 =	sld [smem:$0x3F9F]  }
0x1a: {  	s8 =	sadd.s32 $0xFFFFE003, lr  }
0x1b: {  	s9 =	sadd.s32 $0xFFFFFEF7, lr;
	s5 =	simm.s32 $0xFFFFFFFF;
	p2 =	slt.u32 s8, $0xFFFFF086  }
0x1c: {  	p1 =	slt.u32 s9, $0xF7A;
	s5 =	simm.s32 @!p2 $0x0  }
0x1d: {  	s5 =	simm.s32 @p1 $0x1;
	p0 =	seq.s32 s7, s2  }
0x1e: {  	s7 =	smul.u32 @!p0 $0xF7A, s2;
	p2 =	seq.s32 @!p0 s5, $0x0  }
0x1f: {  	s9 =	smul.u32 $0xF7A, s1;
	s8 =	simm.s32 @!p0 $0x1BF5;
	p2 =	por !p2, p0  }
0x20: {  	[sflag:s8] =	ssyncset.s32 @!p0 $0xFFFFF086;
	s6 =	sadd.s32 @!p0 s3, s7;
	s7 =	simm.s32 @!p0 $0x108  }
0x21: {  	s3 =	sadd.s32 s3, s9;
	s6 =	sadd.s32 @!p0 $0x88, s6;
	s7 =	simm.s32 @p2 $0x1082  }
0x22: {  	[simem:s7], [sflag:s8] =	dma.local @!p0 [hbm:s6], $0xF7A  }
0x23: {  	s9 =	sor.u32 $0xD0000000, s2;
	s6 =	simm.s32 $0x108;
	_ =	swait.ge @!p0 [sflag:s8], $0x0  }
0x24: {  	s3 =	sadd.s32 $0x88, s3;
	s6 =	simm.s32 @!p1 $0x1082;
	[sflag:s4] =	ssyncset.s32 $0xFFFFF086  }
0x25: {  	[simem:s6], [sflag:s4] =	dma.local [hbm:s3], $0xF7A  }
0x26: {  	[smem:$0x3F9F] =	sst s1;
	(tag) =	ssettag s2;
	_ =	strace s9  }
0x27: {  	s1 =	sld [smem:$0x3FAF]  }
0x28: {  	s2 =	sld [smem:$0x3FB0]  }
0x29: {  	s4 =	sld [smem:$0x3FB2]  }
0x2a: {  	p0 =	seq.s32 s5, $0x0;
	s5 =	sld [smem:$0x3FB3]  }
0x2b: {  	s6 =	sld [smem:$0x3FB4]  }
0x2c: {  	s7 =	sld [smem:$0x3FB5]  }
0x2d: {  	s3 =	simm.s32 $0x108;
	s8 =	sld [smem:$0x3FB6]  }
0x2e: {  	s3 =	simm.s32 @!p0 $0x1082;
	s9 =	sld [smem:$0x3FB7]  }
0x2f: {  	lr =	sadd.s32 s0, s3;
	s0 =	sld [smem:$0x3FAE]  }
0x30: {  	s3 =	sld [smem:$0x3FB1]  }
0x31: {  	[smem:$0x3FBA] =	sst s10  }
0x32: {  	s10 =	sld [smem:$0x3FB8];
	_ =	sdelay $0x3  }
0x33: {  	p0 =	seq.s32 s10, $0x1;
	s10 =	sld [smem:$0x3FBA];
	_ =	sdelay $0x3  }
0x34: {  	[smem:$0x3FBA] =	sst s10  }
0x35: {  	s10 =	sld [smem:$0x3FB9];
	_ =	sdelay $0x3  }
0x36: {  	p1 =	seq.s32 s10, $0x1;
	s10 =	sld [smem:$0x3FBA];
	_ =	sdelay $0x3  }
0x37: {  	[smem:$0x3FBA] =	sst s10  }
0x38: {  	s10 =	sld [smem:$0x3FBB]  }
0x39: {  	_ = 	snop;
	(pc) =	sbr.ind lr, $3  }
0x3a: {  	_ = 	snop  }
0x3b: {  	_ = 	snop  }
0x3c: {  	p2 =	seq.s32 s10, $0x1;
	s10 =	sld [smem:$0x3FBA]  }
0x3d: {  	_ =	shalt  }
0x3e: {  	_ =	shalt  }
0x3f: {  	_ =	shalt  }
0x40: {  	_ =	shalt  }
0x41: {  	_ =	shalt  }
0x42: {  	_ =	shalt  }
0x43: {  	_ =	shalt  }
0x44: {  	_ =	shalt  }
0x45: {  	_ =	shalt  }
0x46: {  	_ =	shalt  }
0x47: {  	_ =	shalt  }
0x48: {  	_ =	shalt  }
0x49: {  	_ =	shalt  }
0x4a: {  	_ =	shalt  }
0x4b: {  	_ =	shalt  }
0x4c: {  	_ =	shalt  }
0x4d: {  	_ =	shalt  }
0x4e: {  	_ =	shalt  }
0x4f: {  	_ =	shalt  }
0x50: {  	_ =	shalt  }
0x51: {  	_ =	shalt  }
0x52: {  	_ =	shalt  }
0x53: {  	_ =	shalt  }
0x54: {  	_ =	shalt  }
0x55: {  	_ =	shalt  }
0x56: {  	_ =	shalt  }
0x57: {  	_ =	shalt  }
0x58: {  	_ =	shalt  }
0x59: {  	_ =	shalt  }
0x5a: {  	_ =	shalt  }
0x5b: {  	_ =	shalt  }
0x5c: {  	_ =	shalt  }
0x5d: {  	_ =	shalt  }
0x5e: {  	_ =	shalt  }
0x5f: {  	_ =	shalt  }
0x60: {  	_ =	shalt  }
0x61: {  	_ =	shalt  }
0x62: {  	_ =	shalt  }
0x63: {  	_ =	shalt  }
0x64: {  	_ =	shalt  }
0x65: {  	_ =	shalt  }
0x66: {  	_ =	shalt  }
0x67: {  	_ =	shalt  }
0x68: {  	_ =	shalt  }
0x69: {  	_ =	shalt  }
0x6a: {  	_ =	shalt  }
0x6b: {  	_ =	shalt  }
0x6c: {  	_ =	shalt  }
0x6d: {  	_ =	shalt  }
0x6e: {  	_ =	shalt  }
0x6f: {  	_ =	shalt  }
0x70: {  	_ =	shalt  }
0x71: {  	_ =	shalt  }
0x72: {  	_ =	shalt  }
0x73: {  	_ =	shalt  }
0x74: {  	_ =	shalt  }
0x75: {  	_ =	shalt  }
0x76: {  	_ =	shalt  }
0x77: {  	_ =	shalt  }
0x78: {  	_ =	shalt  }
0x79: {  	_ =	shalt  }
0x7a: {  	_ =	shalt  }
0x7b: {  	_ =	shalt  }
0x7c: {  	_ =	shalt  }
0x7d: {  	_ =	shalt  }
0x7e: {  	_ =	shalt  }
0x7f: {  	_ =	shalt  }
0x80: {  	_ =	shalt  }
0x81: {  	_ =	shalt  }
0x82: {  	_ =	shalt  }
0x83: {  	_ =	shalt  }
0x84: {  	_ =	shalt  }
0x85: {  	_ =	shalt  }
0x86: {  	_ =	shalt  }
0x87: {  	_ =	shalt  }
.Lfunc_end0:
.L_simem_size_0:
called_computation.1_lowered:
.L_overlay_start_0:
0x88: {  	s2 =	sld [smem:$0x3FD9]  }
0x89: {  	s3 =	sld [smem:$0x3FFE];
	_ =	sdelay $0x1  }
0x8a: {  	s1 =	srdreg.scid  }
0x8b: {  	s0 =	sand.u32 $0x1, s1  }
0x8c: {  	s15 =	sshll.u32 s0, $0xA;
	s2 =	sadd.s32 s3, s2  }
0x8d: {  	s2 =	sadd.s32 s2, s15  }
0x8e: {  	[smem:$0x3FC6] =	sst s2  }
0x8f: {  	_ = 	snop  }
0x90: {  	s16 =	sld [smem:$0x3FD0];
	_ =	sdelay $0x2  }
0x91: {  	s4 =	simm.s32 $0xB;
	s5 =	simm.s32 $0x10;
	s2 =	sld [smem:$0x3FC9]  }
0x92: {  	[smem:s5], [sflag:s4] =	dma.local [hbm:s16], $0x1  }
0x93: {  	_ =	swait.eq [sflag:s4], $0x1  }
0x94: {  	[sflag:s4] =	ssyncset.done $0x0  }
0x95: {  	[sflag:s4] =	ssyncadd.s32 $0xFFFFFFFF  }
0x96: {  	s17 =	sld [smem:$0x11];
	(tm) =	ssettm $0x1  }
0x97: {  	s18 =	sld [smem:$0x3FFB];
	_ =	sdelay $0x3  }
0x98: {  	_ =	strace s18  }
0x99: {  	s3 =	sld [smem:$0x3FFC];
	_ =	sdelay $0x3  }
0x9a: {  	_ =	strace s3  }
0x9b: {  	s3 =	sld [smem:$0x3FFD];
	_ =	sdelay $0x3  }
0x9c: {  	_ =	strace s3  }
0x9d: {  	_ =	strace $0x8FFFFFFF  }
0x9e: {  	s19 =	sld [smem:$0x3FDB];
	_ =	sdelay $0x1  }
0x9f: {  	s20 =	simm.s32 $_scs_section_size  }
0xa0: {  	s6 =	simm.s32 $_size__tile_overlayer_lowered;
	s7 =	simm.s32 $_tile_overlayer_lowered  }
0xa1: {  	s8 =	simm.s32 $0x1BFF;
	s21 =	sshll.u32 s7, $0x1;
	s5 =	sadd.s32 s20, s19  }
0xa2: {  	s22 =	simm.s32 $0x0;
	s6 =	sshll.u32 s6, $0x1;
	s7 =	sadd.s32 s21, s5  }
0xa3: {  	[timem:s22], [sflag:s8] =	dma.local [hbm:s7], s6  }
0xa4: {  	_ =	swait.ge [sflag:s8], s6  }
0xa5: {  	s6 =	ssub.s32 $0x0, s6;
	[sflag:s8] =	ssyncset.done $0x0  }
0xa6: {  	[sflag:s8] =	ssyncadd.s32 s6;
	_ =	sdelay $0x1  }
0xa7: {  	s23 =	simm.s32 $0x1B8B  }
0xa8: {  	_ =	swait.ge [sflag:s23], $0x1  }
0xa9: {  	[sflag:s23] =	ssyncset.done $0x0  }
0xaa: {  	[sflag:s23] =	ssyncadd.s32 $0xFFFFFFFF  }
0xab: {  	s6 =	sld [smem:$0x0]  }
0xac: {  	s7 =	sand.u32 $0xFFFFFFFE, s1  }
0xad: {  	p0 =	sne.s32 s1, s7  }
0xae: {  	s7 =	sshll.u32 @p0 s7, $0xE  }
0xaf: {  	s7 =	sadd.s32 @p0 $0x11B8D, s7;
	s8 =	sshll.u32 @p0 s6, $0x11  }
0xb0: {  	s7 =	sor.u32 @p0 s8, s7  }
0xb1: {  	[sflag:s7] =	ssyncadd.remote.s32 @p0 $0x1;
	_ =	sdelay $0x1  }
0xb2: {  	s7 =	simm.s32 @p0 $0x1B8D  }
0xb3: {  	_ =	swait.eq @p0 [sflag:s7], $0x1  }
0xb4: {  	[sflag:s7] =	ssyncadd.s32 @p0 $0xFFFFFFFF  }
0xb5: {  	s8 =	sshll.u32 @!p0 s1, $0xE  }
0xb6: {  	s8 =	sor.u32 @!p0 $0x4000, s8;
	s7 =	simm.s32 @!p0 $0x1B8D  }
0xb7: {  	s6 =	sshll.u32 @!p0 s6, $0x11;
	s8 =	sadd.s32 @!p0 $0x11B8D, s8;
	_ =	swait.eq @!p0 [sflag:s7], $0x1  }
0xb8: {  	s6 =	sor.u32 @!p0 s6, s8;
	[sflag:s7] =	ssyncadd.s32 @!p0 $0xFFFFFFFF  }
0xb9: {  	s25 =	simm.s32 $0x1B8E;
	s24 =	sld [smem:$0x3FFE];
	[sflag:s6] =	ssyncadd.remote.s32 @!p0 $0x1  }
0xba: {  	s26 =	simm.s32 $execute0_lowered;
	[smem:$0x3FD2] =	sst s25  }
0xbb: {  	s7 =	sshll.u32 s26, $0x1;
	_ =	strace $0x80000049;
	[dreg:$0x1] =	wrdreg $0xFFFFFFFF  }
0xbc: {  	s28 =	simm.s32 $_size_execute0_lowered;
	s5 =	sadd.s32 s5, s7;
	[dreg:$0x0] =	wrdreg $0x0  }
0xbd: {  	s7 =	sshll.u32 s28, $0x1;
	[dreg:$0x2] =	wrdreg s5  }
0xbe: {  	[dreg:$0x3] =	wrdreg s7  }
0xbf: {  	[dreg:$0x4] =	wrdreg $0xC0  }
0xc0: {  	_ =	task [dreg:s22], $0x5FFFF  }
0xc1: {  	[dreg:$0x1] =	wrdreg $0xFFFFFFFF  }
0xc2: {  	[dreg:$0x0] =	wrdreg $0x60  }
0xc3: {  	[dreg:$0x2] =	wrdreg s2  }
0xc4: {  	[dreg:$0x3] =	wrdreg s24  }
0xc5: {  	[dreg:$0x4] =	wrdreg s17  }
0xc6: {  	[dreg:$0x5] =	wrdreg $0x9  }
0xc7: {  	_ =	task.clear_ibuf [dreg:s22], $0x6FFFF;
	_ =	strace $0x90000049  }
0xc8: {  	s29 =	simm.s32 $0x9;
	_ =	strace $0x8000004B  }
0xc9: {  	_ =	swait.ge [sflag:s29], $0x1  }
0xca: {  	[sflag:s29] =	ssyncadd.s32 $0xFFFFFFFF  }
0xcb: {  	_ =	strace $0x9000004B  }
0xcc: {  	_ =	sfence  }
0xcd: {  	s30 =	sld [smem:$0x0];
	_ =	sdelay $0x2  }
0xce: {  	s31 =	sshll.u32 s1, $0xD;
	s1 =	sshrl.u32 s1, $0x2  }
0xcf: {  	s4 =	sand.u32 $0x4000, s31;
	s1 =	sadd.s32 s1, s30  }
0xd0: {  	s0 =	sor.u32 s4, s0;
	s1 =	sshll.u32 s1, $0x11  }
0xd1: {  	s0 =	sor.u32 s1, s0  }
0xd2: {  	s0 =	sadd.s32 $0x8F2B, s0  }
0xd3: {  	[sflag:s0] =	ssyncadd.remote.s32 $0x1  }
0xd4: {  	_ =	sfence.sel $0xFFFF  }
0xd5: {  	[dreg:$0x0] =	wrdreg $0xFFFFFFFF;
	(pc) =	sbr.abs _section_cstart, $3  }
0xd6: {  	[dreg:$0x1] =	wrdreg $0xFFFFFFFF  }
0xd7: {  	_ =	task.clear_ibuf [dreg:s22], $0x2FFFF;
	_ =	strace $0x9FFFFFFF  }
0xd8: {  	(tm) =	ssettm $0x7FFFFFFF  }
0xd9: {  	_ =	shalt  }
tec
execute0_lowered:
.L_overlay_start_1:
0x0: {  	(tag) =	ssettag $0x1  }
0x1: {  	s3 =	rddreg [dreg:$0x0]  }
0x2: {  	s1 =	srdreg.scid;
	s5 =	rddreg [dreg:$0x1]  }
0x3: {  	s0 =	stileid.u32;
	s8 =	rddreg [dreg:$0x2];
	s6 =	sand.u32 $0x1, s1  }
0x4: {  	s2 =	simm.s32 $0x0;
	s4 =	sshll.u32 s0, $0xA;
	s7 =	sshll.u32 s6, $0x9  }
0x5: {  	[smem:$0x7FF] =	sst s2;
	s9 =	sor.u32 s7, s4  }
0x6: {  	s1 =	rddreg [dreg:$0x3];
	_ =	strace $0x8000004A;
	s4 =	sshrl.u32 s9, $0x3  }
0x7: {  	s10 =	ssub.s32 $0x2, s6;
	s4 =	sadd.s32 s3, s4;
	s3 =	simm.s32 $0x2  }
0x8: {  	[tilespmem:s2], [sflag:$0x2] =	stream.linear.gather [hbm4b:s4+s2], $0x200, $0x38;
	[tilespmem:$0x4200] =	vst v63  }
0x9: {  	s5 =	sadd.s32 $0x21000, s5;
	s11 =	sshrl.u32 s10, $0x1;
	_ =	swait.ge [sflag:s3], $0x200  }
0xa: {  	s6 =	simm.s32 $0x200;
	s10 =	ssub.s32 s10, s11;
	[sflag:s3] =	ssyncset.done $0x0  }
0xb: {  	s7 =	simm.s32 $0x1;
	s31 =	smax.u32 s10, $0x1;
	[sflag:s3] =	ssyncadd.s32 $0xFFFFFE00  }
0xc: {  	[tilespmem:s6], [sflag:$0x1] =	stream.indirect.gather [hbm4b:s5+s6], $0x20, s2, s6, $0xb8;
	[tilespmem:$0x4200] =	vst v63  }
0xd: {  	p0 =	sne.s32 s31, $0x1;
	_ =	swait.ge [sflag:s7], $0x4000  }
.Ltmp0:
0xe: {  	s9 =	sshll.u32 s9, $0x2;
	[sflag:s7] =	ssyncset.done $0x0;
	(pc) =	sbr.rel @!p0 .LBB2_2-.Ltmp0, $4  }
0xf: {  	s8 =	sadd.s32 s8, s9;
	[sflag:s7] =	ssyncadd.s32 $0xFFFFC000  }
0x10: {  	[hbm4b:s8+s2] =	stream.linear.scatter [tilespmem:s6], [sflag:$0x2], $0x4000, $0x38;
	[tilespmem:$0x4200] =	vst v63  }
0x11: {  	_ =	swait.ge [sflag:s3], $0x4000  }
0x12: {  	s9 =	sadd.s32 $0xFFFFFFFF, s31;
	[sflag:s3] =	ssyncset.done $0x0  }
.LBB2_1:
0x13: {  	p0 =	sne.s32 s9, $0x1;
	s9 =	sadd.s32 $0xFFFFFFFF, s9;
	[sflag:s3] =	ssyncadd.s32 $0xFFFFC000  }
0x14: {  	[tilespmem:s2], [sflag:$0x2] =	stream.linear.gather [hbm4b:s4+s2], $0x200, $0x38;
	[tilespmem:$0x4200] =	vst v63  }
0x15: {  	_ =	swait.ge [sflag:s3], $0x200  }
0x16: {  	[sflag:s3] =	ssyncset.done $0x0  }
0x17: {  	[sflag:s3] =	ssyncadd.s32 $0xFFFFFE00  }
0x18: {  	[tilespmem:s6], [sflag:$0x1] =	stream.indirect.gather [hbm4b:s5+s6], $0x20, s2, s6, $0xb8;
	[tilespmem:$0x4200] =	vst v63  }
0x19: {  	_ =	swait.ge [sflag:s7], $0x4000  }
.Ltmp1:
0x1a: {  	[sflag:s7] =	ssyncset.done $0x0;
	(pc) =	sbr.rel @p0 .LBB2_1-.Ltmp1, $4  }
0x1b: {  	[sflag:s7] =	ssyncadd.s32 $0xFFFFC000  }
0x1c: {  	[hbm4b:s8+s2] =	stream.linear.scatter [tilespmem:s6], [sflag:$0x2], $0x4000, $0x38;
	[tilespmem:$0x4200] =	vst v63  }
0x1d: {  	_ =	swait.ge [sflag:s3], $0x4000  }
0x1e: {  	[sflag:s3] =	ssyncset.done $0x0  }
.LBB2_2:
0x1f: {  	[sflag:s3] =	ssyncadd.s32 $0xFFFFC000  }
0x20: {  	_ =	sfence.sel $0x180000  }
0x21: {  	[bflag:$0x0] =	sbarrier.arrive $0xFFFF  }
0x22: {  	p0 =	sne.s32 s0, $0x0;
	_ =	strace $0x9000004A  }
0x23: {  	s0 =	sadd.s32 @!p0 $0x100000, s1;
	[bflag:$0x2] =	sbarrier.arrive $0xFFFF  }
0x24: {  	[sflag:s0] =	ssyncadd.tile.s32 @!p0 $0x1;
	_ =	shalt  }
.Lfunc_end2:
_tile_overlayer_lowered:
.L_overlay_start_2:
0x25: {  	(tag) =	ssettag $0x2  }
0x26: {  	s0 =	rddreg [dreg:$0x0];
	s2 =	stileid.u32  }
0x27: {  	s1 =	rddreg [dreg:$0x1];
	p0 =	sne.s32 s2, $0x0  }
0x28: {  	s3 =	rddreg [dreg:$0x2];
	[bflag:$0x3] =	sbarrier.arrive $0xFFFF;
	s2 =	simm.s32 @!p0 $0x1C02  }
0x29: {  	[timem:s3], [sflag:s2] =	dma.local @!p0 [hbm:s0], s1  }
0x2a: {  	s0 =	simm.s32 @!p0 $0x2  }
0x2b: {  	_ =	swait.ge @!p0 [sflag:s0], s1  }
0x2c: {  	s1 =	ssub.s32 @!p0 $0x0, s1;
	[sflag:s0] =	ssyncset.done @!p0 $0x0  }
0x2d: {  	[sflag:s0] =	ssyncadd.s32 @!p0 s1  }
0x2e: {  	[bflag:$0x3] =	sbarrier.arrive $0xFFFF  }
0x2f: {  	_ =	shalt  }

// kernel: kernel.13.cloned.1.call-start
scs
__scs_entry_jumppad:
0x0: {  	(pc) =	sbr.rel $0x88, $3  }
0x1: {  	(tag) =	ssettag $0x0;
	lr =	simm.s32 $0x1  }
0x2: {  	[smem:$0x3F9F] =	sst lr;
	_ =	strace $0xD0000000  }
0x3: {  	_ = 	snop  }
0x4: {  	_ = 	snop  }
0x5: {  	_ = 	snop  }
0x6: {  	_ = 	snop  }
0x7: {  	_ = 	snop  }
__scs_overlays_trampoline_lowered:
0x8: {  	[smem:$0x3FAE] =	sst s0  }
0x9: {  	[smem:$0x3FAF] =	sst s1  }
0xa: {  	[smem:$0x3FB0] =	sst s2  }
0xb: {  	[smem:$0x3FB1] =	sst s3  }
0xc: {  	[smem:$0x3FB2] =	sst s4  }
0xd: {  	[smem:$0x3FB3] =	sst s5  }
0xe: {  	[smem:$0x3FB4] =	sst s6  }
0xf: {  	[smem:$0x3FB5] =	sst s7  }
0x10: {  	[smem:$0x3FB6] =	sst s8  }
0x11: {  	[smem:$0x3FB7] =	sst s9;
	s0 =	simm.s32 @!p0 $0x0  }
0x12: {  	s1 =	sld [smem:$0x3F9D];
	s0 =	simm.s32 @p0 $0x1  }
0x13: {  	[smem:$0x3FB8] =	sst s0;
	s0 =	simm.s32 @!p1 $0x0  }
0x14: {  	s2 =	sld [smem:$0x3F9C];
	s0 =	simm.s32 @p1 $0x1  }
0x15: {  	[smem:$0x3FB9] =	sst s0;
	s0 =	simm.s32 @!p2 $0x0  }
0x16: {  	s3 =	sld [smem:$0x3FDB];
	s0 =	simm.s32 @p2 $0x1  }
0x17: {  	s4 =	simm.s32 $0x1BF5;
	[smem:$0x3FBB] =	sst s0  }
0x18: {  	s0 =	sld [smem:$0x3F9E];
	_ =	swait.ge [sflag:s4], $0x0  }
0x19: {  	s7 =	sld [smem:$0x3F9F]  }
0x1a: {  	s8 =	sadd.s32 $0xFFFFE003, lr  }
0x1b: {  	s9 =	sadd.s32 $0xFFFFFEF7, lr;
	s5 =	simm.s32 $0xFFFFFFFF;
	p2 =	slt.u32 s8, $0xFFFFF086  }
0x1c: {  	p1 =	slt.u32 s9, $0xF7A;
	s5 =	simm.s32 @!p2 $0x0  }
0x1d: {  	s5 =	simm.s32 @p1 $0x1;
	p0 =	seq.s32 s7, s2  }
0x1e: {  	s7 =	smul.u32 @!p0 $0xF7A, s2;
	p2 =	seq.s32 @!p0 s5, $0x0  }
0x1f: {  	s9 =	smul.u32 $0xF7A, s1;
	s8 =	simm.s32 @!p0 $0x1BF5;
	p2 =	por !p2, p0  }
0x20: {  	[sflag:s8] =	ssyncset.s32 @!p0 $0xFFFFF086;
	s6 =	sadd.s32 @!p0 s3, s7;
	s7 =	simm.s32 @!p0 $0x108  }
0x21: {  	s3 =	sadd.s32 s3, s9;
	s6 =	sadd.s32 @!p0 $0x88, s6;
	s7 =	simm.s32 @p2 $0x1082  }
0x22: {  	[simem:s7], [sflag:s8] =	dma.local @!p0 [hbm:s6], $0xF7A  }
0x23: {  	s9 =	sor.u32 $0xD0000000, s2;
	s6 =	simm.s32 $0x108;
	_ =	swait.ge @!p0 [sflag:s8], $0x0  }
0x24: {  	s3 =	sadd.s32 $0x88, s3;
	s6 =	simm.s32 @!p1 $0x1082;
	[sflag:s4] =	ssyncset.s32 $0xFFFFF086  }
0x25: {  	[simem:s6], [sflag:s4] =	dma.local [hbm:s3], $0xF7A  }
0x26: {  	[smem:$0x3F9F] =	sst s1;
	(tag) =	ssettag s2;
	_ =	strace s9  }
0x27: {  	s1 =	sld [smem:$0x3FAF]  }
0x28: {  	s2 =	sld [smem:$0x3FB0]  }
0x29: {  	s4 =	sld [smem:$0x3FB2]  }
0x2a: {  	p0 =	seq.s32 s5, $0x0;
	s5 =	sld [smem:$0x3FB3]  }
0x2b: {  	s6 =	sld [smem:$0x3FB4]  }
0x2c: {  	s7 =	sld [smem:$0x3FB5]  }
0x2d: {  	s3 =	simm.s32 $0x108;
	s8 =	sld [smem:$0x3FB6]  }
0x2e: {  	s3 =	simm.s32 @!p0 $0x1082;
	s9 =	sld [smem:$0x3FB7]  }
0x2f: {  	lr =	sadd.s32 s0, s3;
	s0 =	sld [smem:$0x3FAE]  }
0x30: {  	s3 =	sld [smem:$0x3FB1]  }
0x31: {  	[smem:$0x3FBA] =	sst s10  }
0x32: {  	s10 =	sld [smem:$0x3FB8];
	_ =	sdelay $0x3  }
0x33: {  	p0 =	seq.s32 s10, $0x1;
	s10 =	sld [smem:$0x3FBA];
	_ =	sdelay $0x3  }
0x34: {  	[smem:$0x3FBA] =	sst s10  }
0x35: {  	s10 =	sld [smem:$0x3FB9];
	_ =	sdelay $0x3  }
0x36: {  	p1 =	seq.s32 s10, $0x1;
	s10 =	sld [smem:$0x3FBA];
	_ =	sdelay $0x3  }
0x37: {  	[smem:$0x3FBA] =	sst s10  }
0x38: {  	s10 =	sld [smem:$0x3FBB]  }
0x39: {  	_ = 	snop;
	(pc) =	sbr.ind lr, $3  }
0x3a: {  	_ = 	snop  }
0x3b: {  	_ = 	snop  }
0x3c: {  	p2 =	seq.s32 s10, $0x1;
	s10 =	sld [smem:$0x3FBA]  }
0x3d: {  	_ =	shalt  }
0x3e: {  	_ =	shalt  }
0x3f: {  	_ =	shalt  }
0x40: {  	_ =	shalt  }
0x41: {  	_ =	shalt  }
0x42: {  	_ =	shalt  }
0x43: {  	_ =	shalt  }
0x44: {  	_ =	shalt  }
0x45: {  	_ =	shalt  }
0x46: {  	_ =	shalt  }
0x47: {  	_ =	shalt  }
0x48: {  	_ =	shalt  }
0x49: {  	_ =	shalt  }
0x4a: {  	_ =	shalt  }
0x4b: {  	_ =	shalt  }
0x4c: {  	_ =	shalt  }
0x4d: {  	_ =	shalt  }
0x4e: {  	_ =	shalt  }
0x4f: {  	_ =	shalt  }
0x50: {  	_ =	shalt  }
0x51: {  	_ =	shalt  }
0x52: {  	_ =	shalt  }
0x53: {  	_ =	shalt  }
0x54: {  	_ =	shalt  }
0x55: {  	_ =	shalt  }
0x56: {  	_ =	shalt  }
0x57: {  	_ =	shalt  }
0x58: {  	_ =	shalt  }
0x59: {  	_ =	shalt  }
0x5a: {  	_ =	shalt  }
0x5b: {  	_ =	shalt  }
0x5c: {  	_ =	shalt  }
0x5d: {  	_ =	shalt  }
0x5e: {  	_ =	shalt  }
0x5f: {  	_ =	shalt  }
0x60: {  	_ =	shalt  }
0x61: {  	_ =	shalt  }
0x62: {  	_ =	shalt  }
0x63: {  	_ =	shalt  }
0x64: {  	_ =	shalt  }
0x65: {  	_ =	shalt  }
0x66: {  	_ =	shalt  }
0x67: {  	_ =	shalt  }
0x68: {  	_ =	shalt  }
0x69: {  	_ =	shalt  }
0x6a: {  	_ =	shalt  }
0x6b: {  	_ =	shalt  }
0x6c: {  	_ =	shalt  }
0x6d: {  	_ =	shalt  }
0x6e: {  	_ =	shalt  }
0x6f: {  	_ =	shalt  }
0x70: {  	_ =	shalt  }
0x71: {  	_ =	shalt  }
0x72: {  	_ =	shalt  }
0x73: {  	_ =	shalt  }
0x74: {  	_ =	shalt  }
0x75: {  	_ =	shalt  }
0x76: {  	_ =	shalt  }
0x77: {  	_ =	shalt  }
0x78: {  	_ =	shalt  }
0x79: {  	_ =	shalt  }
0x7a: {  	_ =	shalt  }
0x7b: {  	_ =	shalt  }
0x7c: {  	_ =	shalt  }
0x7d: {  	_ =	shalt  }
0x7e: {  	_ =	shalt  }
0x7f: {  	_ =	shalt  }
0x80: {  	_ =	shalt  }
0x81: {  	_ =	shalt  }
0x82: {  	_ =	shalt  }
0x83: {  	_ =	shalt  }
0x84: {  	_ =	shalt  }
0x85: {  	_ =	shalt  }
0x86: {  	_ =	shalt  }
0x87: {  	_ =	shalt  }
.Lfunc_end0:
.L_simem_size_0:
called_computation.2_lowered:
.L_overlay_start_0:
0x88: {  	s2 =	sld [smem:$0x3FD9]  }
0x89: {  	s3 =	sld [smem:$0x3FFE];
	_ =	sdelay $0x1  }
0x8a: {  	s1 =	srdreg.scid  }
0x8b: {  	s0 =	sand.u32 $0x1, s1  }
0x8c: {  	s15 =	sshll.u32 s0, $0xA;
	s2 =	sadd.s32 s3, s2  }
0x8d: {  	s2 =	sadd.s32 s2, s15  }
0x8e: {  	[smem:$0x3FC6] =	sst s2  }
0x8f: {  	_ = 	snop  }
0x90: {  	s16 =	sld [smem:$0x3FD0];
	_ =	sdelay $0x2  }
0x91: {  	s4 =	simm.s32 $0xB;
	s5 =	simm.s32 $0x10;
	s2 =	sld [smem:$0x3FC9]  }
0x92: {  	[smem:s5], [sflag:s4] =	dma.local [hbm:s16], $0x1  }
0x93: {  	_ =	swait.eq [sflag:s4], $0x1  }
0x94: {  	[sflag:s4] =	ssyncset.done $0x0  }
0x95: {  	[sflag:s4] =	ssyncadd.s32 $0xFFFFFFFF  }
0x96: {  	s17 =	sld [smem:$0x10];
	(tm) =	ssettm $0x1  }
0x97: {  	s18 =	sld [smem:$0x3FFB];
	_ =	sdelay $0x3  }
0x98: {  	_ =	strace s18  }
0x99: {  	s3 =	sld [smem:$0x3FFC];
	_ =	sdelay $0x3  }
0x9a: {  	_ =	strace s3  }
0x9b: {  	s3 =	sld [smem:$0x3FFD];
	_ =	sdelay $0x3  }
0x9c: {  	_ =	strace s3  }
0x9d: {  	_ =	strace $0x8FFFFFFF  }
0x9e: {  	s19 =	sld [smem:$0x3FDB];
	_ =	sdelay $0x1  }
0x9f: {  	s20 =	simm.s32 $_scs_section_size  }
0xa0: {  	s6 =	simm.s32 $_size__tile_overlayer_lowered;
	s7 =	simm.s32 $_tile_overlayer_lowered  }
0xa1: {  	s8 =	simm.s32 $0x1BFF;
	s21 =	sshll.u32 s7, $0x1;
	s5 =	sadd.s32 s20, s19  }
0xa2: {  	s22 =	simm.s32 $0x0;
	s6 =	sshll.u32 s6, $0x1;
	s7 =	sadd.s32 s21, s5  }
0xa3: {  	[timem:s22], [sflag:s8] =	dma.local [hbm:s7], s6  }
0xa4: {  	_ =	swait.ge [sflag:s8], s6  }
0xa5: {  	s6 =	ssub.s32 $0x0, s6;
	[sflag:s8] =	ssyncset.done $0x0  }
0xa6: {  	[sflag:s8] =	ssyncadd.s32 s6;
	_ =	sdelay $0x1  }
0xa7: {  	s23 =	simm.s32 $0x1B8B  }
0xa8: {  	_ =	swait.ge [sflag:s23], $0x1  }
0xa9: {  	[sflag:s23] =	ssyncset.done $0x0  }
0xaa: {  	[sflag:s23] =	ssyncadd.s32 $0xFFFFFFFF  }
0xab: {  	s6 =	sld [smem:$0x0]  }
0xac: {  	s7 =	sand.u32 $0xFFFFFFFE, s1  }
0xad: {  	p0 =	sne.s32 s1, s7  }
0xae: {  	s7 =	sshll.u32 @p0 s7, $0xE  }
0xaf: {  	s7 =	sadd.s32 @p0 $0x11B8D, s7;
	s8 =	sshll.u32 @p0 s6, $0x11  }
0xb0: {  	s7 =	sor.u32 @p0 s8, s7  }
0xb1: {  	[sflag:s7] =	ssyncadd.remote.s32 @p0 $0x1;
	_ =	sdelay $0x1  }
0xb2: {  	s7 =	simm.s32 @p0 $0x1B8D  }
0xb3: {  	_ =	swait.eq @p0 [sflag:s7], $0x1  }
0xb4: {  	[sflag:s7] =	ssyncadd.s32 @p0 $0xFFFFFFFF  }
0xb5: {  	s8 =	sshll.u32 @!p0 s1, $0xE  }
0xb6: {  	s8 =	sor.u32 @!p0 $0x4000, s8;
	s7 =	simm.s32 @!p0 $0x1B8D  }
0xb7: {  	s6 =	sshll.u32 @!p0 s6, $0x11;
	s8 =	sadd.s32 @!p0 $0x11B8D, s8;
	_ =	swait.eq @!p0 [sflag:s7], $0x1  }
0xb8: {  	s6 =	sor.u32 @!p0 s6, s8;
	[sflag:s7] =	ssyncadd.s32 @!p0 $0xFFFFFFFF  }
0xb9: {  	s25 =	simm.s32 $0x1B8E;
	s24 =	sld [smem:$0x3FFE];
	[sflag:s6] =	ssyncadd.remote.s32 @!p0 $0x1  }
0xba: {  	s26 =	simm.s32 $execute0_lowered;
	[smem:$0x3FD2] =	sst s25  }
0xbb: {  	s7 =	sshll.u32 s26, $0x1;
	_ =	strace $0x8000004C;
	[dreg:$0x1] =	wrdreg $0xFFFFFFFF  }
0xbc: {  	s28 =	simm.s32 $_size_execute0_lowered;
	s5 =	sadd.s32 s5, s7;
	[dreg:$0x0] =	wrdreg $0x0  }
0xbd: {  	s7 =	sshll.u32 s28, $0x1;
	[dreg:$0x2] =	wrdreg s5  }
0xbe: {  	[dreg:$0x3] =	wrdreg s7  }
0xbf: {  	[dreg:$0x4] =	wrdreg $0xC0  }
0xc0: {  	_ =	task [dreg:s22], $0x5FFFF  }
0xc1: {  	[dreg:$0x1] =	wrdreg $0xFFFFFFFF  }
0xc2: {  	[dreg:$0x0] =	wrdreg $0x60  }
0xc3: {  	[dreg:$0x2] =	wrdreg s2  }
0xc4: {  	[dreg:$0x3] =	wrdreg s24  }
0xc5: {  	[dreg:$0x4] =	wrdreg s17  }
0xc6: {  	[dreg:$0x5] =	wrdreg $0xA  }
0xc7: {  	_ =	task.clear_ibuf [dreg:s22], $0x6FFFF;
	_ =	strace $0x9000004C  }
0xc8: {  	s29 =	simm.s32 $0xA;
	_ =	strace $0x8000004E  }
0xc9: {  	_ =	swait.ge [sflag:s29], $0x1  }
0xca: {  	[sflag:s29] =	ssyncadd.s32 $0xFFFFFFFF  }
0xcb: {  	_ =	strace $0x9000004E  }
0xcc: {  	_ =	sfence  }
0xcd: {  	s30 =	sld [smem:$0x0];
	_ =	sdelay $0x2  }
0xce: {  	s31 =	sshll.u32 s1, $0xD;
	s1 =	sshrl.u32 s1, $0x2  }
0xcf: {  	s4 =	sand.u32 $0x4000, s31;
	s1 =	sadd.s32 s1, s30  }
0xd0: {  	s0 =	sor.u32 s4, s0;
	s1 =	sshll.u32 s1, $0x11  }
0xd1: {  	s0 =	sor.u32 s1, s0  }
0xd2: {  	s0 =	sadd.s32 $0x8F2B, s0  }
0xd3: {  	[sflag:s0] =	ssyncadd.remote.s32 $0x1  }
0xd4: {  	_ =	sfence.sel $0xFFFF  }
0xd5: {  	[dreg:$0x0] =	wrdreg $0xFFFFFFFF;
	(pc) =	sbr.abs _section_cstart, $3  }
0xd6: {  	[dreg:$0x1] =	wrdreg $0xFFFFFFFF  }
0xd7: {  	_ =	task.clear_ibuf [dreg:s22], $0x2FFFF;
	_ =	strace $0x9FFFFFFF  }
0xd8: {  	(tm) =	ssettm $0x7FFFFFFF  }
0xd9: {  	_ =	shalt  }
tec
execute0_lowered:
.L_overlay_start_1:
0x0: {  	(tag) =	ssettag $0x1  }
0x1: {  	s3 =	rddreg [dreg:$0x0]  }
0x2: {  	s5 =	rddreg [dreg:$0x1]  }
0x3: {  	s8 =	rddreg [dreg:$0x2];
	s2 =	srdreg.scid  }
0x4: {  	s0 =	rddreg [dreg:$0x3];
	s1 =	stileid.u32;
	s6 =	sand.u32 $0x1, s2  }
0x5: {  	s2 =	simm.s32 $0x0;
	s4 =	sshll.u32 s1, $0x7;
	s7 =	sshll.u32 s6, $0x6  }
0x6: {  	[smem:$0x7FF] =	sst s2;
	s10 =	ssub.s32 $0x2, s6;
	s9 =	sor.u32 s7, s4  }
0x7: {  	_ =	strace $0x8000004D;
	s4 =	sadd.s32 s3, s9;
	s3 =	simm.s32 $0x2  }
0x8: {  	[tilespmem:s2], [sflag:$0x2] =	stream.linear.gather [hbm4b:s4+s2], $0x200, $0x38;
	[tilespmem:$0x400] =	vst v63  }
0x9: {  	s5 =	sadd.s32 $0x1000, s5;
	s11 =	sshrl.u32 s10, $0x1;
	_ =	swait.ge [sflag:s3], $0x200  }
0xa: {  	s6 =	simm.s32 $0x200;
	s10 =	ssub.s32 s10, s11;
	[sflag:s3] =	ssyncset.done $0x0  }
0xb: {  	s7 =	simm.s32 $0x1;
	s31 =	smax.u32 s10, $0x1;
	[sflag:s3] =	ssyncadd.s32 $0xFFFFFE00  }
0xc: {  	[tilespmem:s6], [sflag:$0x1] =	stream.indirect.gather [hbm4b:s5+s6], $0x1, s2, s6, $0xb8;
	[tilespmem:$0x400] =	vst v63  }
0xd: {  	p0 =	sne.s32 s31, $0x1;
	_ =	swait.ge [sflag:s7], $0x200  }
.Ltmp0:
0xe: {  	[sflag:s7] =	ssyncset.done $0x0;
	(pc) =	sbr.rel @!p0 .LBB2_2-.Ltmp0, $4  }
0xf: {  	s8 =	sadd.s32 s8, s9;
	[sflag:s7] =	ssyncadd.s32 $0xFFFFFE00  }
0x10: {  	[hbm4b:s8+s2] =	stream.linear.scatter [tilespmem:s6], [sflag:$0x2], $0x200, $0x38;
	[tilespmem:$0x400] =	vst v63  }
0x11: {  	_ =	swait.ge [sflag:s3], $0x200  }
0x12: {  	s9 =	sadd.s32 $0xFFFFFFFF, s31;
	[sflag:s3] =	ssyncset.done $0x0  }
.LBB2_1:
0x13: {  	p0 =	sne.s32 s9, $0x1;
	s9 =	sadd.s32 $0xFFFFFFFF, s9;
	[sflag:s3] =	ssyncadd.s32 $0xFFFFFE00  }
0x14: {  	[tilespmem:s2], [sflag:$0x2] =	stream.linear.gather [hbm4b:s4+s2], $0x200, $0x38;
	[tilespmem:$0x400] =	vst v63  }
0x15: {  	_ =	swait.ge [sflag:s3], $0x200  }
0x16: {  	[sflag:s3] =	ssyncset.done $0x0  }
0x17: {  	[sflag:s3] =	ssyncadd.s32 $0xFFFFFE00  }
0x18: {  	[tilespmem:s6], [sflag:$0x1] =	stream.indirect.gather [hbm4b:s5+s6], $0x1, s2, s6, $0xb8;
	[tilespmem:$0x400] =	vst v63  }
0x19: {  	_ =	swait.ge [sflag:s7], $0x200  }
.Ltmp1:
0x1a: {  	[sflag:s7] =	ssyncset.done $0x0;
	(pc) =	sbr.rel @p0 .LBB2_1-.Ltmp1, $4  }
0x1b: {  	[sflag:s7] =	ssyncadd.s32 $0xFFFFFE00  }
0x1c: {  	[hbm4b:s8+s2] =	stream.linear.scatter [tilespmem:s6], [sflag:$0x2], $0x200, $0x38;
	[tilespmem:$0x400] =	vst v63  }
0x1d: {  	_ =	swait.ge [sflag:s3], $0x200  }
0x1e: {  	[sflag:s3] =	ssyncset.done $0x0  }
.LBB2_2:
0x1f: {  	[sflag:s3] =	ssyncadd.s32 $0xFFFFFE00  }
0x20: {  	_ =	sfence.sel $0x180000  }
0x21: {  	[bflag:$0x0] =	sbarrier.arrive $0xFFFF  }
0x22: {  	p0 =	sne.s32 s1, $0x0;
	_ =	strace $0x9000004D  }
0x23: {  	s0 =	sadd.s32 @!p0 $0x100000, s0;
	[bflag:$0x2] =	sbarrier.arrive $0xFFFF  }
0x24: {  	[sflag:s0] =	ssyncadd.tile.s32 @!p0 $0x1;
	_ =	shalt  }
.Lfunc_end2:
_tile_overlayer_lowered:
.L_overlay_start_2:
0x25: {  	(tag) =	ssettag $0x2  }
0x26: {  	s0 =	rddreg [dreg:$0x0];
	s2 =	stileid.u32  }
0x27: {  	s1 =	rddreg [dreg:$0x1];
	p0 =	sne.s32 s2, $0x0  }
0x28: {  	s3 =	rddreg [dreg:$0x2];
	[bflag:$0x3] =	sbarrier.arrive $0xFFFF;
	s2 =	simm.s32 @!p0 $0x1C02  }
0x29: {  	[timem:s3], [sflag:s2] =	dma.local @!p0 [hbm:s0], s1  }
0x2a: {  	s0 =	simm.s32 @!p0 $0x2  }
0x2b: {  	_ =	swait.ge @!p0 [sflag:s0], s1  }
0x2c: {  	s1 =	ssub.s32 @!p0 $0x0, s1;
	[sflag:s0] =	ssyncset.done @!p0 $0x0  }
0x2d: {  	[sflag:s0] =	ssyncadd.s32 @!p0 s1  }
0x2e: {  	[bflag:$0x3] =	sbarrier.arrive $0xFFFF  }
0x2f: {  	_ =	shalt  }

// kernel: kernel.7.cloned.1.call-start
scs
__scs_entry_jumppad:
0x0: {  	(pc) =	sbr.rel $0x88, $3  }
0x1: {  	(tag) =	ssettag $0x0;
	lr =	simm.s32 $0x1  }
0x2: {  	[smem:$0x3F9F] =	sst lr;
	_ =	strace $0xD0000000  }
0x3: {  	_ = 	snop  }
0x4: {  	_ = 	snop  }
0x5: {  	_ = 	snop  }
0x6: {  	_ = 	snop  }
0x7: {  	_ = 	snop  }
__scs_overlays_trampoline_lowered:
0x8: {  	[smem:$0x3FAE] =	sst s0  }
0x9: {  	[smem:$0x3FAF] =	sst s1  }
0xa: {  	[smem:$0x3FB0] =	sst s2  }
0xb: {  	[smem:$0x3FB1] =	sst s3  }
0xc: {  	[smem:$0x3FB2] =	sst s4  }
0xd: {  	[smem:$0x3FB3] =	sst s5  }
0xe: {  	[smem:$0x3FB4] =	sst s6  }
0xf: {  	[smem:$0x3FB5] =	sst s7  }
0x10: {  	[smem:$0x3FB6] =	sst s8  }
0x11: {  	[smem:$0x3FB7] =	sst s9;
	s0 =	simm.s32 @!p0 $0x0  }
0x12: {  	s1 =	sld [smem:$0x3F9D];
	s0 =	simm.s32 @p0 $0x1  }
0x13: {  	[smem:$0x3FB8] =	sst s0;
	s0 =	simm.s32 @!p1 $0x0  }
0x14: {  	s2 =	sld [smem:$0x3F9C];
	s0 =	simm.s32 @p1 $0x1  }
0x15: {  	[smem:$0x3FB9] =	sst s0;
	s0 =	simm.s32 @!p2 $0x0  }
0x16: {  	s3 =	sld [smem:$0x3FDB];
	s0 =	simm.s32 @p2 $0x1  }
0x17: {  	s4 =	simm.s32 $0x1BF5;
	[smem:$0x3FBB] =	sst s0  }
0x18: {  	s0 =	sld [smem:$0x3F9E];
	_ =	swait.ge [sflag:s4], $0x0  }
0x19: {  	s7 =	sld [smem:$0x3F9F]  }
0x1a: {  	s8 =	sadd.s32 $0xFFFFE003, lr  }
0x1b: {  	s9 =	sadd.s32 $0xFFFFFEF7, lr;
	s5 =	simm.s32 $0xFFFFFFFF;
	p2 =	slt.u32 s8, $0xFFFFF086  }
0x1c: {  	p1 =	slt.u32 s9, $0xF7A;
	s5 =	simm.s32 @!p2 $0x0  }
0x1d: {  	s5 =	simm.s32 @p1 $0x1;
	p0 =	seq.s32 s7, s2  }
0x1e: {  	s7 =	smul.u32 @!p0 $0xF7A, s2;
	p2 =	seq.s32 @!p0 s5, $0x0  }
0x1f: {  	s9 =	smul.u32 $0xF7A, s1;
	s8 =	simm.s32 @!p0 $0x1BF5;
	p2 =	por !p2, p0  }
0x20: {  	[sflag:s8] =	ssyncset.s32 @!p0 $0xFFFFF086;
	s6 =	sadd.s32 @!p0 s3, s7;
	s7 =	simm.s32 @!p0 $0x108  }
0x21: {  	s3 =	sadd.s32 s3, s9;
	s6 =	sadd.s32 @!p0 $0x88, s6;
	s7 =	simm.s32 @p2 $0x1082  }
0x22: {  	[simem:s7], [sflag:s8] =	dma.local @!p0 [hbm:s6], $0xF7A  }
0x23: {  	s9 =	sor.u32 $0xD0000000, s2;
	s6 =	simm.s32 $0x108;
	_ =	swait.ge @!p0 [sflag:s8], $0x0  }
0x24: {  	s3 =	sadd.s32 $0x88, s3;
	s6 =	simm.s32 @!p1 $0x1082;
	[sflag:s4] =	ssyncset.s32 $0xFFFFF086  }
0x25: {  	[simem:s6], [sflag:s4] =	dma.local [hbm:s3], $0xF7A  }
0x26: {  	[smem:$0x3F9F] =	sst s1;
	(tag) =	ssettag s2;
	_ =	strace s9  }
0x27: {  	s1 =	sld [smem:$0x3FAF]  }
0x28: {  	s2 =	sld [smem:$0x3FB0]  }
0x29: {  	s4 =	sld [smem:$0x3FB2]  }
0x2a: {  	p0 =	seq.s32 s5, $0x0;
	s5 =	sld [smem:$0x3FB3]  }
0x2b: {  	s6 =	sld [smem:$0x3FB4]  }
0x2c: {  	s7 =	sld [smem:$0x3FB5]  }
0x2d: {  	s3 =	simm.s32 $0x108;
	s8 =	sld [smem:$0x3FB6]  }
0x2e: {  	s3 =	simm.s32 @!p0 $0x1082;
	s9 =	sld [smem:$0x3FB7]  }
0x2f: {  	lr =	sadd.s32 s0, s3;
	s0 =	sld [smem:$0x3FAE]  }
0x30: {  	s3 =	sld [smem:$0x3FB1]  }
0x31: {  	[smem:$0x3FBA] =	sst s10  }
0x32: {  	s10 =	sld [smem:$0x3FB8];
	_ =	sdelay $0x3  }
0x33: {  	p0 =	seq.s32 s10, $0x1;
	s10 =	sld [smem:$0x3FBA];
	_ =	sdelay $0x3  }
0x34: {  	[smem:$0x3FBA] =	sst s10  }
0x35: {  	s10 =	sld [smem:$0x3FB9];
	_ =	sdelay $0x3  }
0x36: {  	p1 =	seq.s32 s10, $0x1;
	s10 =	sld [smem:$0x3FBA];
	_ =	sdelay $0x3  }
0x37: {  	[smem:$0x3FBA] =	sst s10  }
0x38: {  	s10 =	sld [smem:$0x3FBB]  }
0x39: {  	_ = 	snop;
	(pc) =	sbr.ind lr, $3  }
0x3a: {  	_ = 	snop  }
0x3b: {  	_ = 	snop  }
0x3c: {  	p2 =	seq.s32 s10, $0x1;
	s10 =	sld [smem:$0x3FBA]  }
0x3d: {  	_ =	shalt  }
0x3e: {  	_ =	shalt  }
0x3f: {  	_ =	shalt  }
0x40: {  	_ =	shalt  }
0x41: {  	_ =	shalt  }
0x42: {  	_ =	shalt  }
0x43: {  	_ =	shalt  }
0x44: {  	_ =	shalt  }
0x45: {  	_ =	shalt  }
0x46: {  	_ =	shalt  }
0x47: {  	_ =	shalt  }
0x48: {  	_ =	shalt  }
0x49: {  	_ =	shalt  }
0x4a: {  	_ =	shalt  }
0x4b: {  	_ =	shalt  }
0x4c: {  	_ =	shalt  }
0x4d: {  	_ =	shalt  }
0x4e: {  	_ =	shalt  }
0x4f: {  	_ =	shalt  }
0x50: {  	_ =	shalt  }
0x51: {  	_ =	shalt  }
0x52: {  	_ =	shalt  }
0x53: {  	_ =	shalt  }
0x54: {  	_ =	shalt  }
0x55: {  	_ =	shalt  }
0x56: {  	_ =	shalt  }
0x57: {  	_ =	shalt  }
0x58: {  	_ =	shalt  }
0x59: {  	_ =	shalt  }
0x5a: {  	_ =	shalt  }
0x5b: {  	_ =	shalt  }
0x5c: {  	_ =	shalt  }
0x5d: {  	_ =	shalt  }
0x5e: {  	_ =	shalt  }
0x5f: {  	_ =	shalt  }
0x60: {  	_ =	shalt  }
0x61: {  	_ =	shalt  }
0x62: {  	_ =	shalt  }
0x63: {  	_ =	shalt  }
0x64: {  	_ =	shalt  }
0x65: {  	_ =	shalt  }
0x66: {  	_ =	shalt  }
0x67: {  	_ =	shalt  }
0x68: {  	_ =	shalt  }
0x69: {  	_ =	shalt  }
0x6a: {  	_ =	shalt  }
0x6b: {  	_ =	shalt  }
0x6c: {  	_ =	shalt  }
0x6d: {  	_ =	shalt  }
0x6e: {  	_ =	shalt  }
0x6f: {  	_ =	shalt  }
0x70: {  	_ =	shalt  }
0x71: {  	_ =	shalt  }
0x72: {  	_ =	shalt  }
0x73: {  	_ =	shalt  }
0x74: {  	_ =	shalt  }
0x75: {  	_ =	shalt  }
0x76: {  	_ =	shalt  }
0x77: {  	_ =	shalt  }
0x78: {  	_ =	shalt  }
0x79: {  	_ =	shalt  }
0x7a: {  	_ =	shalt  }
0x7b: {  	_ =	shalt  }
0x7c: {  	_ =	shalt  }
0x7d: {  	_ =	shalt  }
0x7e: {  	_ =	shalt  }
0x7f: {  	_ =	shalt  }
0x80: {  	_ =	shalt  }
0x81: {  	_ =	shalt  }
0x82: {  	_ =	shalt  }
0x83: {  	_ =	shalt  }
0x84: {  	_ =	shalt  }
0x85: {  	_ =	shalt  }
0x86: {  	_ =	shalt  }
0x87: {  	_ =	shalt  }
.Lfunc_end0:
.L_simem_size_0:
called_computation_lowered:
.L_overlay_start_0:
0x88: {  	s2 =	sld [smem:$0x3FD9]  }
0x89: {  	s3 =	sld [smem:$0x3FFE];
	_ =	sdelay $0x1  }
0x8a: {  	s1 =	srdreg.scid  }
0x8b: {  	s0 =	sand.u32 $0x1, s1  }
0x8c: {  	s17 =	sshll.u32 s0, $0xA;
	s2 =	sadd.s32 s3, s2  }
0x8d: {  	s2 =	sadd.s32 s2, s17  }
0x8e: {  	[smem:$0x3FC6] =	sst s2  }
0x8f: {  	_ = 	snop  }
0x90: {  	s2 =	sld [smem:$0x3FC9];
	(tm) =	ssettm $0x1  }
0x91: {  	s18 =	sld [smem:$0x3FFB];
	_ =	sdelay $0x3  }
0x92: {  	_ =	strace s18  }
0x93: {  	s3 =	sld [smem:$0x3FFC];
	_ =	sdelay $0x3  }
0x94: {  	_ =	strace s3  }
0x95: {  	s3 =	sld [smem:$0x3FFD];
	_ =	sdelay $0x3  }
0x96: {  	_ =	strace s3  }
0x97: {  	_ =	strace $0x8FFFFFFF  }
0x98: {  	s19 =	sld [smem:$0x3FDB];
	_ =	sdelay $0x1  }
0x99: {  	s4 =	simm.s32 $_scs_section_size  }
0x9a: {  	s5 =	simm.s32 $_size__tile_overlayer_lowered;
	s6 =	simm.s32 $_tile_overlayer_lowered  }
0x9b: {  	s22 =	simm.s32 $0x1BFF;
	s21 =	sshll.u32 s6, $0x1;
	s3 =	sadd.s32 s4, s19  }
0x9c: {  	s7 =	simm.s32 $0x0;
	s20 =	sshll.u32 s5, $0x1;
	s5 =	sadd.s32 s21, s3  }
0x9d: {  	[timem:s7], [sflag:s22] =	dma.local [hbm:s5], s20  }
0x9e: {  	_ =	swait.ge [sflag:s22], s20  }
0x9f: {  	s4 =	ssub.s32 $0x0, s20;
	[sflag:s22] =	ssyncset.done $0x0  }
0xa0: {  	[sflag:s22] =	ssyncadd.s32 s4;
	_ =	sdelay $0x1  }
0xa1: {  	s23 =	simm.s32 $0x1B8B  }
0xa2: {  	_ =	swait.ge [sflag:s23], $0x1  }
0xa3: {  	[sflag:s23] =	ssyncset.done $0x0  }
0xa4: {  	s25 =	simm.s32 $0x1B8E;
	s24 =	sld [smem:$0x3FFE];
	[sflag:s23] =	ssyncadd.s32 $0xFFFFFFFF  }
0xa5: {  	s26 =	simm.s32 $execute0_lowered;
	[smem:$0x3FD2] =	sst s25  }
0xa6: {  	s5 =	sshll.u32 s26, $0x1;
	_ =	strace $0x80000046;
	[dreg:$0x1] =	wrdreg $0xFFFFFFFF  }
0xa7: {  	s28 =	simm.s32 $_size_execute0_lowered;
	s3 =	sadd.s32 s3, s5;
	[dreg:$0x0] =	wrdreg $0x0  }
0xa8: {  	s5 =	sshll.u32 s28, $0x1;
	[dreg:$0x2] =	wrdreg s3  }
0xa9: {  	[dreg:$0x3] =	wrdreg s5  }
0xaa: {  	[dreg:$0x4] =	wrdreg $0xC0  }
0xab: {  	_ =	task [dreg:s7], $0x5FFFF  }
0xac: {  	[dreg:$0x1] =	wrdreg $0xFFFFFFFF  }
0xad: {  	[dreg:$0x0] =	wrdreg $0x60  }
0xae: {  	[dreg:$0x2] =	wrdreg s2  }
0xaf: {  	[dreg:$0x3] =	wrdreg s24  }
0xb0: {  	[dreg:$0x4] =	wrdreg $0xA  }
0xb1: {  	_ =	task.clear_ibuf [dreg:s7], $0x5FFFF;
	_ =	strace $0x90000046  }
0xb2: {  	s29 =	simm.s32 $0xA;
	_ =	strace $0x80000048  }
0xb3: {  	_ =	swait.ge [sflag:s29], $0x1  }
0xb4: {  	[sflag:s29] =	ssyncadd.s32 $0xFFFFFFFF  }
0xb5: {  	_ =	strace $0x90000048  }
0xb6: {  	_ =	sfence  }
0xb7: {  	s30 =	sld [smem:$0x0];
	_ =	sdelay $0x2  }
0xb8: {  	s31 =	sshll.u32 s1, $0xD;
	s1 =	sshrl.u32 s1, $0x2  }
0xb9: {  	s3 =	sand.u32 $0x4000, s31;
	s1 =	sadd.s32 s1, s30  }
0xba: {  	s0 =	sor.u32 s3, s0;
	s1 =	sshll.u32 s1, $0x11  }
0xbb: {  	s0 =	sor.u32 s1, s0  }
0xbc: {  	s0 =	sadd.s32 $0x8F2B, s0  }
0xbd: {  	[sflag:s0] =	ssyncadd.remote.s32 $0x1  }
0xbe: {  	_ =	sfence.sel $0xFFFF  }
0xbf: {  	[dreg:$0x0] =	wrdreg $0xFFFFFFFF;
	(pc) =	sbr.abs _section_cstart, $3  }
0xc0: {  	[dreg:$0x1] =	wrdreg $0xFFFFFFFF  }
0xc1: {  	_ =	task.clear_ibuf [dreg:s7], $0x2FFFF;
	_ =	strace $0x9FFFFFFF  }
0xc2: {  	(tm) =	ssettm $0x7FFFFFFF  }
0xc3: {  	_ =	shalt  }
tec
execute0_lowered:
.L_overlay_start_1:
0x0: {  	(tag) =	ssettag $0x1  }
0x1: {  	s2 =	rddreg [dreg:$0x0];
	s0 =	srdreg.scid  }
0x2: {  	s4 =	rddreg [dreg:$0x1];
	s1 =	stileid.u32;
	s3 =	simm.s32 $0x0  }
0x3: {  	s5 =	sand.u32 $0x1, s0;
	s0 =	rddreg [dreg:$0x2];
	s6 =	sshll.u32 s1, $0x10  }
0x4: {  	[smem:$0x7FF] =	sst s3;
	s7 =	sshll.u32 s5, $0xF;
	s5 =	ssub.s32 $0x2, s5  }
0x5: {  	_ =	strace $0x80000047;
	s6 =	sor.u32 s7, s6;
	s8 =	sshrl.u32 s5, $0x1  }
0x6: {  	s7 =	sshrl.u32 s6, $0x3;
	s5 =	ssub.s32 s5, s8;
	v0 =	vmov s6;
	s6 =	sadd.s32 $0x8000, s6  }
0x7: {  	s8 =	simm.s32 $0x0;
	s4 =	sadd.s32 s7, s4;
	s5 =	smax.u32 s5, $0x1  }
0x8: {  	v2 =	vimm.f32 $0.0e+00;
	v3 =	vimm.f32 $1.000000000e+00;
	v1 =	vmov s6;
	s6 =	simm.s32 $0x1;
	s7 =	simm.s32 $0x4000;
	s4 =	sadd.s32 $0x1000, s4  }
.LBB2_1:
0x9: {  	[tilespmem:s3], [sflag:$0x1] =	stream.linear.gather [hbm4b:s2+s3], $0x4000, $0x38;
	[tilespmem:$0xC000] =	vst v63  }
0xa: {  	_ =	swait.ge [sflag:s6], $0x4000  }
0xb: {  	[sflag:s6] =	ssyncset.done $0x0  }
0xc: {  	s11 =	simm.s32 $0x4040;
	[sflag:s6] =	ssyncadd.s32 $0xFFFFC000  }
0xd: {  	[tilespmem:s11+$0xFFFFFFC0] =	vst v2  }
0xe: {  	[tilespmem:s11+$0x30] =	vst v2  }
0xf: {  	[tilespmem:s11+$0x20] =	vst v2  }
0x10: {  	[tilespmem:s11+$0x10] =	vst v2  }
0x11: {  	[tilespmem:s11+$0x0] =	vst v2  }
0x12: {  	[tilespmem:s11+$0xFFFFFFF0] =	vst v2  }
0x13: {  	s9 =	simm.s32 $0xFFFFFFF8;
	s12 =	simm.s32 $0x0;
	[tilespmem:s11+$0xFFFFFFE0] =	vst v2  }
.LBB2_2:
0x14: {  	s12 =	sadd.s32 $0x8, s12;
	[tilespmem:s11+$0xFFFFFFD0] =	vst v2;
	s11 =	sadd.s32 $0x80, s11;
	s10 =	simm.s32 $0x40  }
0x15: {  	[tilespmem:s11+$0xFFFFFFC0] =	vst v2;
	p0 =	slt.u32 s12, $0x7F8  }
0x16: {  	[tilespmem:s11+$0x30] =	vst v2  }
.Ltmp0:
0x17: {  	[tilespmem:s11+$0x20] =	vst v2;
	(pc) =	sbr.rel @p0 .LBB2_2-.Ltmp0, $4  }
0x18: {  	[tilespmem:s11+$0x10] =	vst v2  }
0x19: {  	[tilespmem:s11+$0x0] =	vst v2  }
0x1a: {  	[tilespmem:s11+$0xFFFFFFF0] =	vst v2  }
0x1b: {  	[tilespmem:s11+$0xFFFFFFE0] =	vst v2  }
0x1c: {  	[tilespmem:s11+$0xFFFFFFD0] =	vst v2  }
.LBB2_4:
0x1d: {  	v4 =	vld [tilespmem:s10+$0xFFFFFFC0];
	_ =	sdelay $0x4  }
0x1e: {  	vm0 =	vge.s32 v4, v0;
	vm1 =	vlt.s32 v4, v1  }
0x1f: {  	v4 =	vsub.s32 v4, v0;
	vm0 =	vmand vm0, vm1  }
0x20: {  	v4 =	vnsel vm0, $0x0, v4;
	_ =	sdelay $0x4  }
0x21: {  	[tilespmem:v4+s7+$0x0] =	vst.idx.msk vm0, v3  }
0x22: {  	v4 =	vld [tilespmem:s10+$0xFFFFFFD0];
	_ =	sdelay $0x4  }
0x23: {  	vm14 =	vge.s32 v4, v0;
	vm15 =	vlt.s32 v4, v1  }
0x24: {  	v4 =	vsub.s32 v4, v0;
	vm0 =	vmand vm14, vm15  }
0x25: {  	v4 =	vnsel vm0, $0x0, v4;
	_ =	sdelay $0x4  }
0x26: {  	[tilespmem:v4+s7+$0x0] =	vst.idx.msk vm0, v3  }
0x27: {  	v4 =	vld [tilespmem:s10+$0xFFFFFFE0];
	_ =	sdelay $0x4  }
0x28: {  	vm4 =	vge.s32 v4, v0;
	vm5 =	vlt.s32 v4, v1  }
0x29: {  	v4 =	vsub.s32 v4, v0;
	vm0 =	vmand vm4, vm5  }
0x2a: {  	v4 =	vnsel vm0, $0x0, v4;
	_ =	sdelay $0x4  }
0x2b: {  	[tilespmem:v4+s7+$0x0] =	vst.idx.msk vm0, v3  }
0x2c: {  	v4 =	vld [tilespmem:s10+$0xFFFFFFF0];
	_ =	sdelay $0x4  }
0x2d: {  	vm6 =	vge.s32 v4, v0;
	vm7 =	vlt.s32 v4, v1  }
0x2e: {  	v4 =	vsub.s32 v4, v0;
	vm0 =	vmand vm6, vm7  }
0x2f: {  	v4 =	vnsel vm0, $0x0, v4;
	_ =	sdelay $0x4  }
0x30: {  	[tilespmem:v4+s7+$0x0] =	vst.idx.msk vm0, v3  }
0x31: {  	v4 =	vld [tilespmem:s10+$0x0];
	_ =	sdelay $0x4  }
0x32: {  	vm8 =	vge.s32 v4, v0;
	vm9 =	vlt.s32 v4, v1  }
0x33: {  	v4 =	vsub.s32 v4, v0;
	vm0 =	vmand vm8, vm9  }
0x34: {  	v4 =	vnsel vm0, $0x0, v4;
	_ =	sdelay $0x4  }
0x35: {  	[tilespmem:v4+s7+$0x0] =	vst.idx.msk vm0, v3  }
0x36: {  	v4 =	vld [tilespmem:s10+$0x10];
	_ =	sdelay $0x4  }
0x37: {  	vm10 =	vge.s32 v4, v0;
	vm11 =	vlt.s32 v4, v1  }
0x38: {  	v4 =	vsub.s32 v4, v0;
	vm0 =	vmand vm10, vm11  }
0x39: {  	v4 =	vnsel vm0, $0x0, v4;
	_ =	sdelay $0x4  }
0x3a: {  	[tilespmem:v4+s7+$0x0] =	vst.idx.msk vm0, v3  }
0x3b: {  	v4 =	vld [tilespmem:s10+$0x20];
	_ =	sdelay $0x4  }
0x3c: {  	vm12 =	vge.s32 v4, v0;
	vm13 =	vlt.s32 v4, v1  }
0x3d: {  	v4 =	vsub.s32 v4, v0;
	vm0 =	vmand vm12, vm13  }
0x3e: {  	v4 =	vnsel vm0, $0x0, v4;
	_ =	sdelay $0x4  }
0x3f: {  	[tilespmem:v4+s7+$0x0] =	vst.idx.msk vm0, v3  }
0x40: {  	v4 =	vld [tilespmem:s10+$0x30];
	_ =	sdelay $0x4  }
0x41: {  	vm14 =	vge.s32 v4, v0;
	vm15 =	vlt.s32 v4, v1  }
0x42: {  	s9 =	sadd.s32 $0x8, s9;
	v4 =	vsub.s32 v4, v0;
	vm0 =	vmand vm14, vm15  }
0x43: {  	p0 =	slt.u32 s9, $0x3F8;
	v4 =	vnsel vm0, $0x0, v4  }
.Ltmp1:
0x44: {  	_ = 	snop;
	(pc) =	sbr.rel @p0 .LBB2_4-.Ltmp1, $2  }
0x45: {  	_ =	sdelay $0x2  }
0x46: {  	s10 =	sadd.s32 $0x80, s10;
	[tilespmem:v4+s7+$0x0] =	vst.idx.msk vm0, v3  }
0x47: {  	s8 =	sadd.s32 $0x1, s8  }
0x48: {  	p0 =	sne.s32 s8, s5  }
.Ltmp2:
0x49: {  	_ = 	snop;
	(pc) =	sbr.rel @p0 .LBB2_1-.Ltmp2, $4  }
0x4a: {  	[hbm4b:s4+s3] =	stream.linear.scatter [tilespmem:s7], [sflag:$0x1], $0x8000, $0x38;
	[tilespmem:$0xC000] =	vst v63  }
0x4b: {  	_ =	swait.ge [sflag:s6], $0x8000  }
0x4c: {  	[sflag:s6] =	ssyncset.done $0x0  }
0x4d: {  	[sflag:s6] =	ssyncadd.s32 $0xFFFF8000  }
0x4e: {  	_ =	sfence.sel $0x180000  }
0x4f: {  	[bflag:$0x0] =	sbarrier.arrive $0xFFFF  }
0x50: {  	p0 =	sne.s32 s1, $0x0;
	_ =	strace $0x90000047  }
0x51: {  	s0 =	sadd.s32 @!p0 $0x100000, s0;
	[bflag:$0x2] =	sbarrier.arrive $0xFFFF  }
0x52: {  	[sflag:s0] =	ssyncadd.tile.s32 @!p0 $0x1;
	_ =	shalt  }
.Lfunc_end2:
_tile_overlayer_lowered:
.L_overlay_start_2:
0x53: {  	(tag) =	ssettag $0x2  }
0x54: {  	s0 =	rddreg [dreg:$0x0];
	s2 =	stileid.u32  }
0x55: {  	s1 =	rddreg [dreg:$0x1];
	p0 =	sne.s32 s2, $0x0  }
0x56: {  	s3 =	rddreg [dreg:$0x2];
	[bflag:$0x3] =	sbarrier.arrive $0xFFFF;
	s2 =	simm.s32 @!p0 $0x1C01  }
0x57: {  	[timem:s3], [sflag:s2] =	dma.local @!p0 [hbm:s0], s1  }
0x58: {  	s0 =	simm.s32 @!p0 $0x1  }
0x59: {  	_ =	swait.ge @!p0 [sflag:s0], s1  }
0x5a: {  	s1 =	ssub.s32 @!p0 $0x0, s1;
	[sflag:s0] =	ssyncset.done @!p0 $0x0  }
0x5b: {  	[sflag:s0] =	ssyncadd.s32 @!p0 s1  }
0x5c: {  	[bflag:$0x3] =	sbarrier.arrive $0xFFFF  }
0x5d: {  	_ =	shalt  }

</sc_bundles>
